<compile_context>
chip_gen: v7x
topology: tpu7x:2x2x1
jax: 0.10.2.dev20260603
libtpu: 0.0.44.dev20260713+nightly
codegen_flags: <defaults>
</compile_context>

<pallas_src>
import functools

import jax
import jax.numpy as jnp
from jax import lax
from jax.experimental import pallas as pl
from jax.experimental.pallas import tpu as pltpu
from jax.experimental.pallas import tpu_sc as plsc

VOCAB = 1000000
EMBED = 64
BATCH = 4096

_QROWS = VOCAB // 2
_QW = 2 * EMBED

_NC = 2
_NS = 16
_NW = _NC * _NS
_BPW = BATCH // _NW

_mesh = plsc.VectorSubcoreMesh(core_axis_name="c", subcore_axis_name="s")


@functools.partial(
    pl.kernel,
    mesh=_mesh,
    out_type=[
        jax.ShapeDtypeStruct((BATCH, _QW), jnp.float32),
        jax.ShapeDtypeStruct((BATCH, _QW), jnp.float32),
    ],
    scratch_types=[
        pltpu.VMEM((_BPW,), jnp.int32),
        pltpu.VMEM((_BPW,), jnp.int32),
        pltpu.VMEM((_BPW, _QW), jnp.float32),
        pltpu.VMEM((_BPW, _QW), jnp.float32),
        pltpu.SemaphoreType.DMA,
        pltpu.SemaphoreType.DMA,
    ],
)
def _sc_gather(tgt_hbm, ctx_hbm, in_tab, out_tab, in_rows_hbm, out_rows_hbm,
               idx_t, idx_c, rows_t, rows_c, sem_t, sem_c):
    wid = lax.axis_index("s") * _NC + lax.axis_index("c")
    base = wid * _BPW
    pltpu.sync_copy(tgt_hbm.at[pl.ds(base, _BPW)], idx_t)
    pltpu.sync_copy(ctx_hbm.at[pl.ds(base, _BPW)], idx_c)

    def fire(g, carry):
        b = g * 16
        vt = idx_t[pl.ds(b, 16)]
        vc = idx_c[pl.ds(b, 16)]
        for j in range(16):
            pltpu.make_async_copy(in_tab.at[vt[j]], rows_t.at[b + j], sem_t).start()
            pltpu.make_async_copy(out_tab.at[vc[j]], rows_c.at[b + j], sem_c).start()
        return carry

    lax.fori_loop(0, _BPW // 16, fire, 0)
    pltpu.make_async_copy(in_tab.at[pl.ds(0, _BPW)], rows_t, sem_t).wait()
    pltpu.make_async_copy(out_tab.at[pl.ds(0, _BPW)], rows_c, sem_c).wait()

    pltpu.sync_copy(rows_t, in_rows_hbm.at[pl.ds(base, _BPW)])
    pltpu.sync_copy(rows_c, out_rows_hbm.at[pl.ds(base, _BPW)])


_BM = 256


def _matmul_body(a_ref, b_ref, o_ref):
    o_ref[...] = lax.dot_general(
        a_ref[...], b_ref[...],
        (((1,), (1,)), ((), ())),
        preferred_element_type=jnp.float32,
    )


_matmul = pl.pallas_call(
    _matmul_body,
    grid=(BATCH // _BM,),
    in_specs=[
        pl.BlockSpec((_BM, EMBED), lambda i: (i, 0)),
        pl.BlockSpec((BATCH, EMBED), lambda i: (0, 0)),
    ],
    out_specs=pl.BlockSpec((_BM, BATCH), lambda i: (i, 0)),
    out_shape=jax.ShapeDtypeStruct((BATCH, BATCH), jnp.float32),
)


def _pair_pack(tab):
    return tab.reshape(_QROWS, _QW)


def _unpack_select(rows, sub):
    b = rows.reshape(BATCH, 2, EMBED)
    return jnp.take_along_axis(b, sub[:, None, None], axis=1)[:, 0, :]


def kernel(target, context, in_embed, out_embed):
    target = target.astype(jnp.int32)
    context = context.astype(jnp.int32)
    in_rows, out_rows = _sc_gather(
        jnp.right_shift(target, 1), jnp.right_shift(context, 1),
        _pair_pack(in_embed), _pair_pack(out_embed),
    )
    in_emb = _unpack_select(in_rows, jnp.bitwise_and(target, 1))
    out_emb = _unpack_select(out_rows, jnp.bitwise_and(context, 1))
    return _matmul(in_emb, out_emb)

# --- scband reference (transcript-rebuilt; emitter-appended) ---
"""Pipeline reference for scband-skip-gram-69097433858210 (READ-ONLY COPY).

The authoritative reference and input builder live on the scoring server;
editing this copy changes nothing except your own understanding.
"""

import jax, jax.numpy as jnp
import numpy as np

VOCAB = 1000000
EMBED = 64
BATCH = 4096

def setup_inputs(seed: int = 0) -> dict:
    key = jax.random.key(seed)
    k1, k2, k3, k4 = jax.random.split(key, 4)
    target = jax.random.randint(k1, (BATCH,), 0, VOCAB, dtype=jnp.int64) if jax.config.jax_enable_x64 else jax.random.randint(k1, (BATCH,), 0, VOCAB).astype(jnp.int32)
    context = jax.random.randint(k2, (BATCH,), 0, VOCAB).astype(target.dtype)
    in_embed = jax.random.normal(k3, (VOCAB, EMBED), dtype=jnp.float32) * 0.02
    out_embed = jax.random.normal(k4, (VOCAB, EMBED), dtype=jnp.float32) * 0.02
    return {"target": target, "context": context, "in_embed": in_embed, "out_embed": out_embed}

def reference(target, context, in_embed, out_embed):
    # in_emb = self.in_embed(target)
    in_emb = jnp.take(in_embed, target, axis=0)   # [B, D]
    # out_emb = self.out_embed(context)
    out_emb = jnp.take(out_embed, context, axis=0)  # [B, D]
    # scores = torch.matmul(in_emb, out_emb.t())
    scores = jnp.matmul(in_emb, out_emb.T)          # [B, B]
    return scores

if __name__ == "__main__":
    import jax
    _d = setup_inputs()
    print(jax.jit(kernel)(*tuple(_d.values())))

</pallas_src>

<mosaic_0001>
#map = affine_map<(d0, d1) -> (0)>
#map1 = affine_map<(d0, d1) -> (0, 0)>
module attributes {stable_mosaic.version = 14 : i64} {
  func.func @_sc_gather(%arg0: i32, %arg1: i32, %arg2: memref<4096xi32, #tpu.memory_space<hbm>>, %arg3: memref<4096xi32, #tpu.memory_space<hbm>>, %arg4: memref<500000x128xf32, #tpu.memory_space<hbm>>, %arg5: memref<500000x128xf32, #tpu.memory_space<hbm>>, %arg6: memref<4096x128xf32, #tpu.memory_space<hbm>>, %arg7: memref<4096x128xf32, #tpu.memory_space<hbm>>, %arg8: memref<128xi32, #tpu.memory_space<vmem>>, %arg9: memref<128xi32, #tpu.memory_space<vmem>>, %arg10: memref<128x128xf32, #tpu.memory_space<vmem>>, %arg11: memref<128x128xf32, #tpu.memory_space<vmem>>, %arg12: memref<!tpu.dma_semaphore, #tpu.memory_space<semaphore_mem>>, %arg13: memref<!tpu.dma_semaphore, #tpu.memory_space<semaphore_mem>>) attributes {dimension_semantics = [#tpu.dimension_semantics<core_parallel>, #tpu.dimension_semantics<subcore_parallel>], iteration_bounds = array<i64: 2, 16>, scalar_prefetch = 0 : i64, scratch_operands = 6 : i64, tpu.core_type = #tpu.core_type<sc_vector_subcore>, window_params = [{transform_indices = #map}, {transform_indices = #map}, {transform_indices = #map1}, {transform_indices = #map1}, {transform_indices = #map1}, {transform_indices = #map1}]} {
    %mul3A = arith.constant 2 : i32
    %mul3A_0 = arith.muli %arg1, %mul3A : i32
    %add3A = arith.addi %mul3A_0, %arg0 : i32
    %mul3A_1 = arith.constant 128 : i32
    %mul3A_2 = arith.muli %add3A, %mul3A_1 : i32
    "tpu.region"() ({
      %run_scoped3A = tpu.sem_alloc : memref<!tpu.dma_semaphore, #tpu.memory_space<semaphore_mem>>
      %dma_start3A = tpu.memref_slice %arg2[%mul3A_2] : memref<4096xi32, #tpu.memory_space<hbm>> -> memref<128xi32, #tpu.memory_space<hbm>>
      %dma_start3A_19 = tpu.memref_slice %arg2[%mul3A_2] : memref<4096xi32, #tpu.memory_space<hbm>> -> memref<128xi32, #tpu.memory_space<hbm>>
      tpu.enqueue_dma source(%dma_start3A_19 : memref<128xi32, #tpu.memory_space<hbm>>) target(%arg8 : memref<128xi32, #tpu.memory_space<vmem>>) target_semaphore(%run_scoped3A : memref<!tpu.dma_semaphore, #tpu.memory_space<semaphore_mem>>)
      %dma_wait3A_20 = tpu.memref_slice %arg2[%mul3A_2] : memref<4096xi32, #tpu.memory_space<hbm>> -> memref<128xi32, #tpu.memory_space<hbm>>
      %dma_wait3A_21 = tpu.memref_slice %arg2[%mul3A_2] : memref<4096xi32, #tpu.memory_space<hbm>> -> memref<128xi32, #tpu.memory_space<hbm>>
      tpu.wait_dma2 semaphore(%run_scoped3A : memref<!tpu.dma_semaphore, #tpu.memory_space<semaphore_mem>>) src(%dma_wait3A_21 : memref<128xi32, #tpu.memory_space<hbm>>) dst(%arg8 : memref<128xi32, #tpu.memory_space<vmem>>)
      tpu.yield
    }) : () -> ()
    "tpu.region"() ({
      %run_scoped3A = tpu.sem_alloc : memref<!tpu.dma_semaphore, #tpu.memory_space<semaphore_mem>>
      %dma_start3A = tpu.memref_slice %arg3[%mul3A_2] : memref<4096xi32, #tpu.memory_space<hbm>> -> memref<128xi32, #tpu.memory_space<hbm>>
      %dma_start3A_19 = tpu.memref_slice %arg3[%mul3A_2] : memref<4096xi32, #tpu.memory_space<hbm>> -> memref<128xi32, #tpu.memory_space<hbm>>
      tpu.enqueue_dma source(%dma_start3A_19 : memref<128xi32, #tpu.memory_space<hbm>>) target(%arg9 : memref<128xi32, #tpu.memory_space<vmem>>) target_semaphore(%run_scoped3A : memref<!tpu.dma_semaphore, #tpu.memory_space<semaphore_mem>>)
      %dma_wait3A_20 = tpu.memref_slice %arg3[%mul3A_2] : memref<4096xi32, #tpu.memory_space<hbm>> -> memref<128xi32, #tpu.memory_space<hbm>>
      %dma_wait3A_21 = tpu.memref_slice %arg3[%mul3A_2] : memref<4096xi32, #tpu.memory_space<hbm>> -> memref<128xi32, #tpu.memory_space<hbm>>
      tpu.wait_dma2 semaphore(%run_scoped3A : memref<!tpu.dma_semaphore, #tpu.memory_space<semaphore_mem>>) src(%dma_wait3A_21 : memref<128xi32, #tpu.memory_space<hbm>>) dst(%arg9 : memref<128xi32, #tpu.memory_space<vmem>>)
      tpu.yield
    }) : () -> ()
    %scan3A = arith.constant 0 : i32
    %scan3A_3 = arith.constant 0 : i32
    %scan3A_4 = arith.constant 8 : i32
    %scan3A_5 = arith.addi %scan3A_3, %scan3A_4 : i32
    %scan3A_6 = arith.constant 1 : i32
    scf.for %scan3A_19 = %scan3A_3 to %scan3A_5 step %scan3A_6  : i32 {
      %mul3A_20 = arith.constant 16 : i32
      %mul3A_21 = arith.muli %scan3A_19, %mul3A_20 : i32
      %get3A = arith.index_cast %mul3A_21 : i32 to index
      %get3A_22 = tpu.vector_load %arg8[%get3A] {strides = array<i32>} : memref<128xi32, #tpu.memory_space<vmem>>, vector<16xi32>,
      %get3A_23 = vector.shape_cast %get3A_22 : vector<16xi32> to vector<16xi32>
      %get3A_24 = arith.index_cast %mul3A_21 : i32 to index
      %get3A_25 = tpu.vector_load %arg9[%get3A_24] {strides = array<i32>} : memref<128xi32, #tpu.memory_space<vmem>>, vector<16xi32>,
      %get3A_26 = vector.shape_cast %get3A_25 : vector<16xi32> to vector<16xi32>
      %slice3A = vector.extract_strided_slice %get3A_23 {offsets = [0], sizes = [1], strides = [1]} : vector<16xi32> to vector<1xi32>
      %squeeze3A = vector.extract %slice3A[0] : i32 from vector<1xi32>
      %add3A_27 = arith.constant 0 : i32
      %add3A_28 = arith.addi %mul3A_21, %add3A_27 : i32
      %dma_start3A = arith.constant 0 : i32
      %dma_start3A_29 = tpu.memref_slice %arg10[%add3A_28, %dma_start3A] : memref<128x128xf32, #tpu.memory_space<vmem>> -> memref<1x128xf32, #tpu.memory_space<vmem>>
      %dma_start3A_30 = tpu.memref_squeeze %dma_start3A_29 : memref<1x128xf32, #tpu.memory_space<vmem>> -> memref<128xf32, #tpu.memory_space<vmem>>
      %dma_start3A_31 = arith.constant 0 : i32
      %dma_start3A_32 = tpu.memref_slice %arg4[%squeeze3A, %dma_start3A_31] : memref<500000x128xf32, #tpu.memory_space<hbm>> -> memref<1x128xf32, #tpu.memory_space<hbm>>
      %dma_start3A_33 = tpu.memref_squeeze %dma_start3A_32 : memref<1x128xf32, #tpu.memory_space<hbm>> -> memref<128xf32, #tpu.memory_space<hbm>>
      %dma_start3A_34 = arith.constant 0 : i32
      %dma_start3A_35 = tpu.memref_slice %arg10[%add3A_28, %dma_start3A_34] : memref<128x128xf32, #tpu.memory_space<vmem>> -> memref<1x128xf32, #tpu.memory_space<vmem>>
      %dma_start3A_36 = tpu.memref_squeeze %dma_start3A_35 : memref<1x128xf32, #tpu.memory_space<vmem>> -> memref<128xf32, #tpu.memory_space<vmem>>
      %dma_start3A_37 = arith.constant 0 : i32
      %dma_start3A_38 = tpu.memref_slice %arg4[%squeeze3A, %dma_start3A_37] : memref<500000x128xf32, #tpu.memory_space<hbm>> -> memref<1x128xf32, #tpu.memory_space<hbm>>
      %dma_start3A_39 = tpu.memref_squeeze %dma_start3A_38 : memref<1x128xf32, #tpu.memory_space<hbm>> -> memref<128xf32, #tpu.memory_space<hbm>>
      tpu.enqueue_dma source(%dma_start3A_39 : memref<128xf32, #tpu.memory_space<hbm>>) target(%dma_start3A_36 : memref<128xf32, #tpu.memory_space<vmem>>) target_semaphore(%arg12 : memref<!tpu.dma_semaphore, #tpu.memory_space<semaphore_mem>>)
      %slice3A_40 = vector.extract_strided_slice %get3A_26 {offsets = [0], sizes = [1], strides = [1]} : vector<16xi32> to vector<1xi32>
      %squeeze3A_41 = vector.extract %slice3A_40[0] : i32 from vector<1xi32>
      %add3A_42 = arith.constant 0 : i32
      %add3A_43 = arith.addi %mul3A_21, %add3A_42 : i32
      %dma_start3A_44 = arith.constant 0 : i32
      %dma_start3A_45 = tpu.memref_slice %arg11[%add3A_43, %dma_start3A_44] : memref<128x128xf32, #tpu.memory_space<vmem>> -> memref<1x128xf32, #tpu.memory_space<vmem>>
      %dma_start3A_46 = tpu.memref_squeeze %dma_start3A_45 : memref<1x128xf32, #tpu.memory_space<vmem>> -> memref<128xf32, #tpu.memory_space<vmem>>
      %dma_start3A_47 = arith.constant 0 : i32
      %dma_start3A_48 = tpu.memref_slice %arg5[%squeeze3A_41, %dma_start3A_47] : memref<500000x128xf32, #tpu.memory_space<hbm>> -> memref<1x128xf32, #tpu.memory_space<hbm>>
      %dma_start3A_49 = tpu.memref_squeeze %dma_start3A_48 : memref<1x128xf32, #tpu.memory_space<hbm>> -> memref<128xf32, #tpu.memory_space<hbm>>
      %dma_start3A_50 = arith.constant 0 : i32
      %dma_start3A_51 = tpu.memref_slice %arg11[%add3A_43, %dma_start3A_50] : memref<128x128xf32, #tpu.memory_space<vmem>> -> memref<1x128xf32, #tpu.memory_space<vmem>>
      %dma_start3A_52 = tpu.memref_squeeze %dma_start3A_51 : memref<1x128xf32, #tpu.memory_space<vmem>> -> memref<128xf32, #tpu.memory_space<vmem>>
      %dma_start3A_53 = arith.constant 0 : i32
      %dma_start3A_54 = tpu.memref_slice %arg5[%squeeze3A_41, %dma_start3A_53] : memref<500000x128xf32, #tpu.memory_space<hbm>> -> memref<1x128xf32, #tpu.memory_space<hbm>>
      %dma_start3A_55 = tpu.memref_squeeze %dma_start3A_54 : memref<1x128xf32, #tpu.memory_space<hbm>> -> memref<128xf32, #tpu.memory_space<hbm>>
      tpu.enqueue_dma source(%dma_start3A_55 : memref<128xf32, #tpu.memory_space<hbm>>) target(%dma_start3A_52 : memref<128xf32, #tpu.memory_space<vmem>>) target_semaphore(%arg13 : memref<!tpu.dma_semaphore, #tpu.memory_space<semaphore_mem>>)
      %slice3A_56 = vector.extract_strided_slice %get3A_23 {offsets = [1], sizes = [1], strides = [1]} : vector<16xi32> to vector<1xi32>
      %squeeze3A_57 = vector.extract %slice3A_56[0] : i32 from vector<1xi32>
      %add3A_58 = arith.constant 1 : i32
      %add3A_59 = arith.addi %mul3A_21, %add3A_58 : i32
      %dma_start3A_60 = arith.constant 0 : i32
      %dma_start3A_61 = tpu.memref_slice %arg10[%add3A_59, %dma_start3A_60] : memref<128x128xf32, #tpu.memory_space<vmem>> -> memref<1x128xf32, #tpu.memory_space<vmem>>
      %dma_start3A_62 = tpu.memref_squeeze %dma_start3A_61 : memref<1x128xf32, #tpu.memory_space<vmem>> -> memref<128xf32, #tpu.memory_space<vmem>>
      %dma_start3A_63 = arith.constant 0 : i32
      %dma_start3A_64 = tpu.memref_slice %arg4[%squeeze3A_57, %dma_start3A_63] : memref<500000x128xf32, #tpu.memory_space<hbm>> -> memref<1x128xf32, #tpu.memory_space<hbm>>
      %dma_start3A_65 = tpu.memref_squeeze %dma_start3A_64 : memref<1x128xf32, #tpu.memory_space<hbm>> -> memref<128xf32, #tpu.memory_space<hbm>>
      %dma_start3A_66 = arith.constant 0 : i32
      %dma_start3A_67 = tpu.memref_slice %arg10[%add3A_59, %dma_start3A_66] : memref<128x128xf32, #tpu.memory_space<vmem>> -> memref<1x128xf32, #tpu.memory_space<vmem>>
      %dma_start3A_68 = tpu.memref_squeeze %dma_start3A_67 : memref<1x128xf32, #tpu.memory_space<vmem>> -> memref<128xf32, #tpu.memory_space<vmem>>
      %dma_start3A_69 = arith.constant 0 : i32
      %dma_start3A_70 = tpu.memref_slice %arg4[%squeeze3A_57, %dma_start3A_69] : memref<500000x128xf32, #tpu.memory_space<hbm>> -> memref<1x128xf32, #tpu.memory_space<hbm>>
      %dma_start3A_71 = tpu.memref_squeeze %dma_start3A_70 : memref<1x128xf32, #tpu.memory_space<hbm>> -> memref<128xf32, #tpu.memory_space<hbm>>
      tpu.enqueue_dma source(%dma_start3A_71 : memref<128xf32, #tpu.memory_space<hbm>>) target(%dma_start3A_68 : memref<128xf32, #tpu.memory_space<vmem>>) target_semaphore(%arg12 : memref<!tpu.dma_semaphore, #tpu.memory_space<semaphore_mem>>)
      %slice3A_72 = vector.extract_strided_slice %get3A_26 {offsets = [1], sizes = [1], strides = [1]} : vector<16xi32> to vector<1xi32>
      %squeeze3A_73 = vector.extract %slice3A_72[0] : i32 from vector<1xi32>
      %add3A_74 = arith.constant 1 : i32
      %add3A_75 = arith.addi %mul3A_21, %add3A_74 : i32
      %dma_start3A_76 = arith.constant 0 : i32
      %dma_start3A_77 = tpu.memref_slice %arg11[%add3A_75, %dma_start3A_76] : memref<128x128xf32, #tpu.memory_space<vmem>> -> memref<1x128xf32, #tpu.memory_space<vmem>>
      %dma_start3A_78 = tpu.memref_squeeze %dma_start3A_77 : memref<1x128xf32, #tpu.memory_space<vmem>> -> memref<128xf32, #tpu.memory_space<vmem>>
      %dma_start3A_79 = arith.constant 0 : i32
      %dma_start3A_80 = tpu.memref_slice %arg5[%squeeze3A_73, %dma_start3A_79] : memref<500000x128xf32, #tpu.memory_space<hbm>> -> memref<1x128xf32, #tpu.memory_space<hbm>>
      %dma_start3A_81 = tpu.memref_squeeze %dma_start3A_80 : memref<1x128xf32, #tpu.memory_space<hbm>> -> memref<128xf32, #tpu.memory_space<hbm>>
      %dma_start3A_82 = arith.constant 0 : i32
      %dma_start3A_83 = tpu.memref_slice %arg11[%add3A_75, %dma_start3A_82] : memref<128x128xf32, #tpu.memory_space<vmem>> -> memref<1x128xf32, #tpu.memory_space<vmem>>
      %dma_start3A_84 = tpu.memref_squeeze %dma_start3A_83 : memref<1x128xf32, #tpu.memory_space<vmem>> -> memref<128xf32, #tpu.memory_space<vmem>>
      %dma_start3A_85 = arith.constant 0 : i32
      %dma_start3A_86 = tpu.memref_slice %arg5[%squeeze3A_73, %dma_start3A_85] : memref<500000x128xf32, #tpu.memory_space<hbm>> -> memref<1x128xf32, #tpu.memory_space<hbm>>
      %dma_start3A_87 = tpu.memref_squeeze %dma_start3A_86 : memref<1x128xf32, #tpu.memory_space<hbm>> -> memref<128xf32, #tpu.memory_space<hbm>>
      tpu.enqueue_dma source(%dma_start3A_87 : memref<128xf32, #tpu.memory_space<hbm>>) target(%dma_start3A_84 : memref<128xf32, #tpu.memory_space<vmem>>) target_semaphore(%arg13 : memref<!tpu.dma_semaphore, #tpu.memory_space<semaphore_mem>>)
      %slice3A_88 = vector.extract_strided_slice %get3A_23 {offsets = [2], sizes = [1], strides = [1]} : vector<16xi32> to vector<1xi32>
      %squeeze3A_89 = vector.extract %slice3A_88[0] : i32 from vector<1xi32>
      %add3A_90 = arith.constant 2 : i32
      %add3A_91 = arith.addi %mul3A_21, %add3A_90 : i32
      %dma_start3A_92 = arith.constant 0 : i32
      %dma_start3A_93 = tpu.memref_slice %arg10[%add3A_91, %dma_start3A_92] : memref<128x128xf32, #tpu.memory_space<vmem>> -> memref<1x128xf32, #tpu.memory_space<vmem>>
      %dma_start3A_94 = tpu.memref_squeeze %dma_start3A_93 : memref<1x128xf32, #tpu.memory_space<vmem>> -> memref<128xf32, #tpu.memory_space<vmem>>
      %dma_start3A_95 = arith.constant 0 : i32
      %dma_start3A_96 = tpu.memref_slice %arg4[%squeeze3A_89, %dma_start3A_95] : memref<500000x128xf32, #tpu.memory_space<hbm>> -> memref<1x128xf32, #tpu.memory_space<hbm>>
      %dma_start3A_97 = tpu.memref_squeeze %dma_start3A_96 : memref<1x128xf32, #tpu.memory_space<hbm>> -> memref<128xf32, #tpu.memory_space<hbm>>
      %dma_start3A_98 = arith.constant 0 : i32
      %dma_start3A_99 = tpu.memref_slice %arg10[%add3A_91, %dma_start3A_98] : memref<128x128xf32, #tpu.memory_space<vmem>> -> memref<1x128xf32, #tpu.memory_space<vmem>>
      %dma_start3A_100 = tpu.memref_squeeze %dma_start3A_99 : memref<1x128xf32, #tpu.memory_space<vmem>> -> memref<128xf32, #tpu.memory_space<vmem>>
      %dma_start3A_101 = arith.constant 0 : i32
      %dma_start3A_102 = tpu.memref_slice %arg4[%squeeze3A_89, %dma_start3A_101] : memref<500000x128xf32, #tpu.memory_space<hbm>> -> memref<1x128xf32, #tpu.memory_space<hbm>>
      %dma_start3A_103 = tpu.memref_squeeze %dma_start3A_102 : memref<1x128xf32, #tpu.memory_space<hbm>> -> memref<128xf32, #tpu.memory_space<hbm>>
      tpu.enqueue_dma source(%dma_start3A_103 : memref<128xf32, #tpu.memory_space<hbm>>) target(%dma_start3A_100 : memref<128xf32, #tpu.memory_space<vmem>>) target_semaphore(%arg12 : memref<!tpu.dma_semaphore, #tpu.memory_space<semaphore_mem>>)
      %slice3A_104 = vector.extract_strided_slice %get3A_26 {offsets = [2], sizes = [1], strides = [1]} : vector<16xi32> to vector<1xi32>
      %squeeze3A_105 = vector.extract %slice3A_104[0] : i32 from vector<1xi32>
      %add3A_106 = arith.constant 2 : i32
      %add3A_107 = arith.addi %mul3A_21, %add3A_106 : i32
      %dma_start3A_108 = arith.constant 0 : i32
      %dma_start3A_109 = tpu.memref_slice %arg11[%add3A_107, %dma_start3A_108] : memref<128x128xf32, #tpu.memory_space<vmem>> -> memref<1x128xf32, #tpu.memory_space<vmem>>
      %dma_start3A_110 = tpu.memref_squeeze %dma_start3A_109 : memref<1x128xf32, #tpu.memory_space<vmem>> -> memref<128xf32, #tpu.memory_space<vmem>>
      %dma_start3A_111 = arith.constant 0 : i32
      %dma_start3A_112 = tpu.memref_slice %arg5[%squeeze3A_105, %dma_start3A_111] : memref<500000x128xf32, #tpu.memory_space<hbm>> -> memref<1x128xf32, #tpu.memory_space<hbm>>
      %dma_start3A_113 = tpu.memref_squeeze %dma_start3A_112 : memref<1x128xf32, #tpu.memory_space<hbm>> -> memref<128xf32, #tpu.memory_space<hbm>>
      %dma_start3A_114 = arith.constant 0 : i32
      %dma_start3A_115 = tpu.memref_slice %arg11[%add3A_107, %dma_start3A_114] : memref<128x128xf32, #tpu.memory_space<vmem>> -> memref<1x128xf32, #tpu.memory_space<vmem>>
      %dma_start3A_116 = tpu.memref_squeeze %dma_start3A_115 : memref<1x128xf32, #tpu.memory_space<vmem>> -> memref<128xf32, #tpu.memory_space<vmem>>
      %dma_start3A_117 = arith.constant 0 : i32
      %dma_start3A_118 = tpu.memref_slice %arg5[%squeeze3A_105, %dma_start3A_117] : memref<500000x128xf32, #tpu.memory_space<hbm>> -> memref<1x128xf32, #tpu.memory_space<hbm>>
      %dma_start3A_119 = tpu.memref_squeeze %dma_start3A_118 : memref<1x128xf32, #tpu.memory_space<hbm>> -> memref<128xf32, #tpu.memory_space<hbm>>
      tpu.enqueue_dma source(%dma_start3A_119 : memref<128xf32, #tpu.memory_space<hbm>>) target(%dma_start3A_116 : memref<128xf32, #tpu.memory_space<vmem>>) target_semaphore(%arg13 : memref<!tpu.dma_semaphore, #tpu.memory_space<semaphore_mem>>)
      %slice3A_120 = vector.extract_strided_slice %get3A_23 {offsets = [3], sizes = [1], strides = [1]} : vector<16xi32> to vector<1xi32>
      %squeeze3A_121 = vector.extract %slice3A_120[0] : i32 from vector<1xi32>
      %add3A_122 = arith.constant 3 : i32
      %add3A_123 = arith.addi %mul3A_21, %add3A_122 : i32
      %dma_start3A_124 = arith.constant 0 : i32
      %dma_start3A_125 = tpu.memref_slice %arg10[%add3A_123, %dma_start3A_124] : memref<128x128xf32, #tpu.memory_space<vmem>> -> memref<1x128xf32, #tpu.memory_space<vmem>>
      %dma_start3A_126 = tpu.memref_squeeze %dma_start3A_125 : memref<1x128xf32, #tpu.memory_space<vmem>> -> memref<128xf32, #tpu.memory_space<vmem>>
      %dma_start3A_127 = arith.constant 0 : i32
      %dma_start3A_128 = tpu.memref_slice %arg4[%squeeze3A_121, %dma_start3A_127] : memref<500000x128xf32, #tpu.memory_space<hbm>> -> memref<1x128xf32, #tpu.memory_space<hbm>>
      %dma_start3A_129 = tpu.memref_squeeze %dma_start3A_128 : memref<1x128xf32, #tpu.memory_space<hbm>> -> memref<128xf32, #tpu.memory_space<hbm>>
      %dma_start3A_130 = arith.constant 0 : i32
      %dma_start3A_131 = tpu.memref_slice %arg10[%add3A_123, %dma_start3A_130] : memref<128x128xf32, #tpu.memory_space<vmem>> -> memref<1x128xf32, #tpu.memory_space<vmem>>
      %dma_start3A_132 = tpu.memref_squeeze %dma_start3A_131 : memref<1x128xf32, #tpu.memory_space<vmem>> -> memref<128xf32, #tpu.memory_space<vmem>>
      %dma_start3A_133 = arith.constant 0 : i32
      %dma_start3A_134 = tpu.memref_slice %arg4[%squeeze3A_121, %dma_start3A_133] : memref<500000x128xf32, #tpu.memory_space<hbm>> -> memref<1x128xf32, #tpu.memory_space<hbm>>
      %dma_start3A_135 = tpu.memref_squeeze %dma_start3A_134 : memref<1x128xf32, #tpu.memory_space<hbm>> -> memref<128xf32, #tpu.memory_space<hbm>>
      tpu.enqueue_dma source(%dma_start3A_135 : memref<128xf32, #tpu.memory_space<hbm>>) target(%dma_start3A_132 : memref<128xf32, #tpu.memory_space<vmem>>) target_semaphore(%arg12 : memref<!tpu.dma_semaphore, #tpu.memory_space<semaphore_mem>>)
      %slice3A_136 = vector.extract_strided_slice %get3A_26 {offsets = [3], sizes = [1], strides = [1]} : vector<16xi32> to vector<1xi32>
      %squeeze3A_137 = vector.extract %slice3A_136[0] : i32 from vector<1xi32>
      %add3A_138 = arith.constant 3 : i32
      %add3A_139 = arith.addi %mul3A_21, %add3A_138 : i32
      %dma_start3A_140 = arith.constant 0 : i32
      %dma_start3A_141 = tpu.memref_slice %arg11[%add3A_139, %dma_start3A_140] : memref<128x128xf32, #tpu.memory_space<vmem>> -> memref<1x128xf32, #tpu.memory_space<vmem>>
      %dma_start3A_142 = tpu.memref_squeeze %dma_start3A_141 : memref<1x128xf32, #tpu.memory_space<vmem>> -> memref<128xf32, #tpu.memory_space<vmem>>
      %dma_start3A_143 = arith.constant 0 : i32
      %dma_start3A_144 = tpu.memref_slice %arg5[%squeeze3A_137, %dma_start3A_143] : memref<500000x128xf32, #tpu.memory_space<hbm>> -> memref<1x128xf32, #tpu.memory_space<hbm>>
      %dma_start3A_145 = tpu.memref_squeeze %dma_start3A_144 : memref<1x128xf32, #tpu.memory_space<hbm>> -> memref<128xf32, #tpu.memory_space<hbm>>
      %dma_start3A_146 = arith.constant 0 : i32
      %dma_start3A_147 = tpu.memref_slice %arg11[%add3A_139, %dma_start3A_146] : memref<128x128xf32, #tpu.memory_space<vmem>> -> memref<1x128xf32, #tpu.memory_space<vmem>>
      %dma_start3A_148 = tpu.memref_squeeze %dma_start3A_147 : memref<1x128xf32, #tpu.memory_space<vmem>> -> memref<128xf32, #tpu.memory_space<vmem>>
      %dma_start3A_149 = arith.constant 0 : i32
      %dma_start3A_150 = tpu.memref_slice %arg5[%squeeze3A_137, %dma_start3A_149] : memref<500000x128xf32, #tpu.memory_space<hbm>> -> memref<1x128xf32, #tpu.memory_space<hbm>>
      %dma_start3A_151 = tpu.memref_squeeze %dma_start3A_150 : memref<1x128xf32, #tpu.memory_space<hbm>> -> memref<128xf32, #tpu.memory_space<hbm>>
      tpu.enqueue_dma source(%dma_start3A_151 : memref<128xf32, #tpu.memory_space<hbm>>) target(%dma_start3A_148 : memref<128xf32, #tpu.memory_space<vmem>>) target_semaphore(%arg13 : memref<!tpu.dma_semaphore, #tpu.memory_space<semaphore_mem>>)
      %slice3A_152 = vector.extract_strided_slice %get3A_23 {offsets = [4], sizes = [1], strides = [1]} : vector<16xi32> to vector<1xi32>
      %squeeze3A_153 = vector.extract %slice3A_152[0] : i32 from vector<1xi32>
      %add3A_154 = arith.constant 4 : i32
      %add3A_155 = arith.addi %mul3A_21, %add3A_154 : i32
      %dma_start3A_156 = arith.constant 0 : i32
      %dma_start3A_157 = tpu.memref_slice %arg10[%add3A_155, %dma_start3A_156] : memref<128x128xf32, #tpu.memory_space<vmem>> -> memref<1x128xf32, #tpu.memory_space<vmem>>
      %dma_start3A_158 = tpu.memref_squeeze %dma_start3A_157 : memref<1x128xf32, #tpu.memory_space<vmem>> -> memref<128xf32, #tpu.memory_space<vmem>>
      %dma_start3A_159 = arith.constant 0 : i32
      %dma_start3A_160 = tpu.memref_slice %arg4[%squeeze3A_153, %dma_start3A_159] : memref<500000x128xf32, #tpu.memory_space<hbm>> -> memref<1x128xf32, #tpu.memory_space<hbm>>
      %dma_start3A_161 = tpu.memref_squeeze %dma_start3A_160 : memref<1x128xf32, #tpu.memory_space<hbm>> -> memref<128xf32, #tpu.memory_space<hbm>>
      %dma_start3A_162 = arith.constant 0 : i32
      %dma_start3A_163 = tpu.memref_slice %arg10[%add3A_155, %dma_start3A_162] : memref<128x128xf32, #tpu.memory_space<vmem>> -> memref<1x128xf32, #tpu.memory_space<vmem>>
      %dma_start3A_164 = tpu.memref_squeeze %dma_start3A_163 : memref<1x128xf32, #tpu.memory_space<vmem>> -> memref<128xf32, #tpu.memory_space<vmem>>
      %dma_start3A_165 = arith.constant 0 : i32
      %dma_start3A_166 = tpu.memref_slice %arg4[%squeeze3A_153, %dma_start3A_165] : memref<500000x128xf32, #tpu.memory_space<hbm>> -> memref<1x128xf32, #tpu.memory_space<hbm>>
      %dma_start3A_167 = tpu.memref_squeeze %dma_start3A_166 : memref<1x128xf32, #tpu.memory_space<hbm>> -> memref<128xf32, #tpu.memory_space<hbm>>
      tpu.enqueue_dma source(%dma_start3A_167 : memref<128xf32, #tpu.memory_space<hbm>>) target(%dma_start3A_164 : memref<128xf32, #tpu.memory_space<vmem>>) target_semaphore(%arg12 : memref<!tpu.dma_semaphore, #tpu.memory_space<semaphore_mem>>)
      %slice3A_168 = vector.extract_strided_slice %get3A_26 {offsets = [4], sizes = [1], strides = [1]} : vector<16xi32> to vector<1xi32>
      %squeeze3A_169 = vector.extract %slice3A_168[0] : i32 from vector<1xi32>
      %add3A_170 = arith.constant 4 : i32
      %add3A_171 = arith.addi %mul3A_21, %add3A_170 : i32
      %dma_start3A_172 = arith.constant 0 : i32
      %dma_start3A_173 = tpu.memref_slice %arg11[%add3A_171, %dma_start3A_172] : memref<128x128xf32, #tpu.memory_space<vmem>> -> memref<1x128xf32, #tpu.memory_space<vmem>>
      %dma_start3A_174 = tpu.memref_squeeze %dma_start3A_173 : memref<1x128xf32, #tpu.memory_space<vmem>> -> memref<128xf32, #tpu.memory_space<vmem>>
      %dma_start3A_175 = arith.constant 0 : i32
      %dma_start3A_176 = tpu.memref_slice %arg5[%squeeze3A_169, %dma_start3A_175] : memref<500000x128xf32, #tpu.memory_space<hbm>> -> memref<1x128xf32, #tpu.memory_space<hbm>>
      %dma_start3A_177 = tpu.memref_squeeze %dma_start3A_176 : memref<1x128xf32, #tpu.memory_space<hbm>> -> memref<128xf32, #tpu.memory_space<hbm>>
      %dma_start3A_178 = arith.constant 0 : i32
      %dma_start3A_179 = tpu.memref_slice %arg11[%add3A_171, %dma_start3A_178] : memref<128x128xf32, #tpu.memory_space<vmem>> -> memref<1x128xf32, #tpu.memory_space<vmem>>
      %dma_start3A_180 = tpu.memref_squeeze %dma_start3A_179 : memref<1x128xf32, #tpu.memory_space<vmem>> -> memref<128xf32, #tpu.memory_space<vmem>>
      %dma_start3A_181 = arith.constant 0 : i32
      %dma_start3A_182 = tpu.memref_slice %arg5[%squeeze3A_169, %dma_start3A_181] : memref<500000x128xf32, #tpu.memory_space<hbm>> -> memref<1x128xf32, #tpu.memory_space<hbm>>
      %dma_start3A_183 = tpu.memref_squeeze %dma_start3A_182 : memref<1x128xf32, #tpu.memory_space<hbm>> -> memref<128xf32, #tpu.memory_space<hbm>>
      tpu.enqueue_dma source(%dma_start3A_183 : memref<128xf32, #tpu.memory_space<hbm>>) target(%dma_start3A_180 : memref<128xf32, #tpu.memory_space<vmem>>) target_semaphore(%arg13 : memref<!tpu.dma_semaphore, #tpu.memory_space<semaphore_mem>>)
      %slice3A_184 = vector.extract_strided_slice %get3A_23 {offsets = [5], sizes = [1], strides = [1]} : vector<16xi32> to vector<1xi32>
      %squeeze3A_185 = vector.extract %slice3A_184[0] : i32 from vector<1xi32>
      %add3A_186 = arith.constant 5 : i32
      %add3A_187 = arith.addi %mul3A_21, %add3A_186 : i32
      %dma_start3A_188 = arith.constant 0 : i32
      %dma_start3A_189 = tpu.memref_slice %arg10[%add3A_187, %dma_start3A_188] : memref<128x128xf32, #tpu.memory_space<vmem>> -> memref<1x128xf32, #tpu.memory_space<vmem>>
      %dma_start3A_190 = tpu.memref_squeeze %dma_start3A_189 : memref<1x128xf32, #tpu.memory_space<vmem>> -> memref<128xf32, #tpu.memory_space<vmem>>
      %dma_start3A_191 = arith.constant 0 : i32
      %dma_start3A_192 = tpu.memref_slice %arg4[%squeeze3A_185, %dma_start3A_191] : memref<500000x128xf32, #tpu.memory_space<hbm>> -> memref<1x128xf32, #tpu.memory_space<hbm>>
      %dma_start3A_193 = tpu.memref_squeeze %dma_start3A_192 : memref<1x128xf32, #tpu.memory_space<hbm>> -> memref<128xf32, #tpu.memory_space<hbm>>
      %dma_start3A_194 = arith.constant 0 : i32
      %dma_start3A_195 = tpu.memref_slice %arg10[%add3A_187, %dma_start3A_194] : memref<128x128xf32, #tpu.memory_space<vmem>> -> memref<1x128xf32, #tpu.memory_space<vmem>>
      %dma_start3A_196 = tpu.memref_squeeze %dma_start3A_195 : memref<1x128xf32, #tpu.memory_space<vmem>> -> memref<128xf32, #tpu.memory_space<vmem>>
      %dma_start3A_197 = arith.constant 0 : i32
      %dma_start3A_198 = tpu.memref_slice %arg4[%squeeze3A_185, %dma_start3A_197] : memref<500000x128xf32, #tpu.memory_space<hbm>> -> memref<1x128xf32, #tpu.memory_space<hbm>>
      %dma_start3A_199 = tpu.memref_squeeze %dma_start3A_198 : memref<1x128xf32, #tpu.memory_space<hbm>> -> memref<128xf32, #tpu.memory_space<hbm>>
      tpu.enqueue_dma source(%dma_start3A_199 : memref<128xf32, #tpu.memory_space<hbm>>) target(%dma_start3A_196 : memref<128xf32, #tpu.memory_space<vmem>>) target_semaphore(%arg12 : memref<!tpu.dma_semaphore, #tpu.memory_space<semaphore_mem>>)
      %slice3A_200 = vector.extract_strided_slice %get3A_26 {offsets = [5], sizes = [1], strides = [1]} : vector<16xi32> to vector<1xi32>
      %squeeze3A_201 = vector.extract %slice3A_200[0] : i32 from vector<1xi32>
      %add3A_202 = arith.constant 5 : i32
      %add3A_203 = arith.addi %mul3A_21, %add3A_202 : i32
      %dma_start3A_204 = arith.constant 0 : i32
      %dma_start3A_205 = tpu.memref_slice %arg11[%add3A_203, %dma_start3A_204] : memref<128x128xf32, #tpu.memory_space<vmem>> -> memref<1x128xf32, #tpu.memory_space<vmem>>
      %dma_start3A_206 = tpu.memref_squeeze %dma_start3A_205 : memref<1x128xf32, #tpu.memory_space<vmem>> -> memref<128xf32, #tpu.memory_space<vmem>>
      %dma_start3A_207 = arith.constant 0 : i32
      %dma_start3A_208 = tpu.memref_slice %arg5[%squeeze3A_201, %dma_start3A_207] : memref<500000x128xf32, #tpu.memory_space<hbm>> -> memref<1x128xf32, #tpu.memory_space<hbm>>
      %dma_start3A_209 = tpu.memref_squeeze %dma_start3A_208 : memref<1x128xf32, #tpu.memory_space<hbm>> -> memref<128xf32, #tpu.memory_space<hbm>>
      %dma_start3A_210 = arith.constant 0 : i32
      %dma_start3A_211 = tpu.memref_slice %arg11[%add3A_203, %dma_start3A_210] : memref<128x128xf32, #tpu.memory_space<vmem>> -> memref<1x128xf32, #tpu.memory_space<vmem>>
      %dma_start3A_212 = tpu.memref_squeeze %dma_start3A_211 : memref<1x128xf32, #tpu.memory_space<vmem>> -> memref<128xf32, #tpu.memory_space<vmem>>
      %dma_start3A_213 = arith.constant 0 : i32
      %dma_start3A_214 = tpu.memref_slice %arg5[%squeeze3A_201, %dma_start3A_213] : memref<500000x128xf32, #tpu.memory_space<hbm>> -> memref<1x128xf32, #tpu.memory_space<hbm>>
      %dma_start3A_215 = tpu.memref_squeeze %dma_start3A_214 : memref<1x128xf32, #tpu.memory_space<hbm>> -> memref<128xf32, #tpu.memory_space<hbm>>
      tpu.enqueue_dma source(%dma_start3A_215 : memref<128xf32, #tpu.memory_space<hbm>>) target(%dma_start3A_212 : memref<128xf32, #tpu.memory_space<vmem>>) target_semaphore(%arg13 : memref<!tpu.dma_semaphore, #tpu.memory_space<semaphore_mem>>)
      %slice3A_216 = vector.extract_strided_slice %get3A_23 {offsets = [6], sizes = [1], strides = [1]} : vector<16xi32> to vector<1xi32>
      %squeeze3A_217 = vector.extract %slice3A_216[0] : i32 from vector<1xi32>
      %add3A_218 = arith.constant 6 : i32
      %add3A_219 = arith.addi %mul3A_21, %add3A_218 : i32
      %dma_start3A_220 = arith.constant 0 : i32
      %dma_start3A_221 = tpu.memref_slice %arg10[%add3A_219, %dma_start3A_220] : memref<128x128xf32, #tpu.memory_space<vmem>> -> memref<1x128xf32, #tpu.memory_space<vmem>>
      %dma_start3A_222 = tpu.memref_squeeze %dma_start3A_221 : memref<1x128xf32, #tpu.memory_space<vmem>> -> memref<128xf32, #tpu.memory_space<vmem>>
      %dma_start3A_223 = arith.constant 0 : i32
      %dma_start3A_224 = tpu.memref_slice %arg4[%squeeze3A_217, %dma_start3A_223] : memref<500000x128xf32, #tpu.memory_space<hbm>> -> memref<1x128xf32, #tpu.memory_space<hbm>>
      %dma_start3A_225 = tpu.memref_squeeze %dma_start3A_224 : memref<1x128xf32, #tpu.memory_space<hbm>> -> memref<128xf32, #tpu.memory_space<hbm>>
      %dma_start3A_226 = arith.constant 0 : i32
      %dma_start3A_227 = tpu.memref_slice %arg10[%add3A_219, %dma_start3A_226] : memref<128x128xf32, #tpu.memory_space<vmem>> -> memref<1x128xf32, #tpu.memory_space<vmem>>
      %dma_start3A_228 = tpu.memref_squeeze %dma_start3A_227 : memref<1x128xf32, #tpu.memory_space<vmem>> -> memref<128xf32, #tpu.memory_space<vmem>>
      %dma_start3A_229 = arith.constant 0 : i32
      %dma_start3A_230 = tpu.memref_slice %arg4[%squeeze3A_217, %dma_start3A_229] : memref<500000x128xf32, #tpu.memory_space<hbm>> -> memref<1x128xf32, #tpu.memory_space<hbm>>
      %dma_start3A_231 = tpu.memref_squeeze %dma_start3A_230 : memref<1x128xf32, #tpu.memory_space<hbm>> -> memref<128xf32, #tpu.memory_space<hbm>>
      tpu.enqueue_dma source(%dma_start3A_231 : memref<128xf32, #tpu.memory_space<hbm>>) target(%dma_start3A_228 : memref<128xf32, #tpu.memory_space<vmem>>) target_semaphore(%arg12 : memref<!tpu.dma_semaphore, #tpu.memory_space<semaphore_mem>>)
      %slice3A_232 = vector.extract_strided_slice %get3A_26 {offsets = [6], sizes = [1], strides = [1]} : vector<16xi32> to vector<1xi32>
      %squeeze3A_233 = vector.extract %slice3A_232[0] : i32 from vector<1xi32>
      %add3A_234 = arith.constant 6 : i32
      %add3A_235 = arith.addi %mul3A_21, %add3A_234 : i32
      %dma_start3A_236 = arith.constant 0 : i32
      %dma_start3A_237 = tpu.memref_slice %arg11[%add3A_235, %dma_start3A_236] : memref<128x128xf32, #tpu.memory_space<vmem>> -> memref<1x128xf32, #tpu.memory_space<vmem>>
      %dma_start3A_238 = tpu.memref_squeeze %dma_start3A_237 : memref<1x128xf32, #tpu.memory_space<vmem>> -> memref<128xf32, #tpu.memory_space<vmem>>
      %dma_start3A_239 = arith.constant 0 : i32
      %dma_start3A_240 = tpu.memref_slice %arg5[%squeeze3A_233, %dma_start3A_239] : memref<500000x128xf32, #tpu.memory_space<hbm>> -> memref<1x128xf32, #tpu.memory_space<hbm>>
      %dma_start3A_241 = tpu.memref_squeeze %dma_start3A_240 : memref<1x128xf32, #tpu.memory_space<hbm>> -> memref<128xf32, #tpu.memory_space<hbm>>
      %dma_start3A_242 = arith.constant 0 : i32
      %dma_start3A_243 = tpu.memref_slice %arg11[%add3A_235, %dma_start3A_242] : memref<128x128xf32, #tpu.memory_space<vmem>> -> memref<1x128xf32, #tpu.memory_space<vmem>>
      %dma_start3A_244 = tpu.memref_squeeze %dma_start3A_243 : memref<1x128xf32, #tpu.memory_space<vmem>> -> memref<128xf32, #tpu.memory_space<vmem>>
      %dma_start3A_245 = arith.constant 0 : i32
      %dma_start3A_246 = tpu.memref_slice %arg5[%squeeze3A_233, %dma_start3A_245] : memref<500000x128xf32, #tpu.memory_space<hbm>> -> memref<1x128xf32, #tpu.memory_space<hbm>>
      %dma_start3A_247 = tpu.memref_squeeze %dma_start3A_246 : memref<1x128xf32, #tpu.memory_space<hbm>> -> memref<128xf32, #tpu.memory_space<hbm>>
      tpu.enqueue_dma source(%dma_start3A_247 : memref<128xf32, #tpu.memory_space<hbm>>) target(%dma_start3A_244 : memref<128xf32, #tpu.memory_space<vmem>>) target_semaphore(%arg13 : memref<!tpu.dma_semaphore, #tpu.memory_space<semaphore_mem>>)
      %slice3A_248 = vector.extract_strided_slice %get3A_23 {offsets = [7], sizes = [1], strides = [1]} : vector<16xi32> to vector<1xi32>
      %squeeze3A_249 = vector.extract %slice3A_248[0] : i32 from vector<1xi32>
      %add3A_250 = arith.constant 7 : i32
      %add3A_251 = arith.addi %mul3A_21, %add3A_250 : i32
      %dma_start3A_252 = arith.constant 0 : i32
      %dma_start3A_253 = tpu.memref_slice %arg10[%add3A_251, %dma_start3A_252] : memref<128x128xf32, #tpu.memory_space<vmem>> -> memref<1x128xf32, #tpu.memory_space<vmem>>
      %dma_start3A_254 = tpu.memref_squeeze %dma_start3A_253 : memref<1x128xf32, #tpu.memory_space<vmem>> -> memref<128xf32, #tpu.memory_space<vmem>>
      %dma_start3A_255 = arith.constant 0 : i32
      %dma_start3A_256 = tpu.memref_slice %arg4[%squeeze3A_249, %dma_start3A_255] : memref<500000x128xf32, #tpu.memory_space<hbm>> -> memref<1x128xf32, #tpu.memory_space<hbm>>
      %dma_start3A_257 = tpu.memref_squeeze %dma_start3A_256 : memref<1x128xf32, #tpu.memory_space<hbm>> -> memref<128xf32, #tpu.memory_space<hbm>>
      %dma_start3A_258 = arith.constant 0 : i32
      %dma_start3A_259 = tpu.memref_slice %arg10[%add3A_251, %dma_start3A_258] : memref<128x128xf32, #tpu.memory_space<vmem>> -> memref<1x128xf32, #tpu.memory_space<vmem>>
      %dma_start3A_260 = tpu.memref_squeeze %dma_start3A_259 : memref<1x128xf32, #tpu.memory_space<vmem>> -> memref<128xf32, #tpu.memory_space<vmem>>
      %dma_start3A_261 = arith.constant 0 : i32
      %dma_start3A_262 = tpu.memref_slice %arg4[%squeeze3A_249, %dma_start3A_261] : memref<500000x128xf32, #tpu.memory_space<hbm>> -> memref<1x128xf32, #tpu.memory_space<hbm>>
      %dma_start3A_263 = tpu.memref_squeeze %dma_start3A_262 : memref<1x128xf32, #tpu.memory_space<hbm>> -> memref<128xf32, #tpu.memory_space<hbm>>
      tpu.enqueue_dma source(%dma_start3A_263 : memref<128xf32, #tpu.memory_space<hbm>>) target(%dma_start3A_260 : memref<128xf32, #tpu.memory_space<vmem>>) target_semaphore(%arg12 : memref<!tpu.dma_semaphore, #tpu.memory_space<semaphore_mem>>)
      %slice3A_264 = vector.extract_strided_slice %get3A_26 {offsets = [7], sizes = [1], strides = [1]} : vector<16xi32> to vector<1xi32>
      %squeeze3A_265 = vector.extract %slice3A_264[0] : i32 from vector<1xi32>
      %add3A_266 = arith.constant 7 : i32
      %add3A_267 = arith.addi %mul3A_21, %add3A_266 : i32
      %dma_start3A_268 = arith.constant 0 : i32
      %dma_start3A_269 = tpu.memref_slice %arg11[%add3A_267, %dma_start3A_268] : memref<128x128xf32, #tpu.memory_space<vmem>> -> memref<1x128xf32, #tpu.memory_space<vmem>>
      %dma_start3A_270 = tpu.memref_squeeze %dma_start3A_269 : memref<1x128xf32, #tpu.memory_space<vmem>> -> memref<128xf32, #tpu.memory_space<vmem>>
      %dma_start3A_271 = arith.constant 0 : i32
      %dma_start3A_272 = tpu.memref_slice %arg5[%squeeze3A_265, %dma_start3A_271] : memref<500000x128xf32, #tpu.memory_space<hbm>> -> memref<1x128xf32, #tpu.memory_space<hbm>>
      %dma_start3A_273 = tpu.memref_squeeze %dma_start3A_272 : memref<1x128xf32, #tpu.memory_space<hbm>> -> memref<128xf32, #tpu.memory_space<hbm>>
      %dma_start3A_274 = arith.constant 0 : i32
      %dma_start3A_275 = tpu.memref_slice %arg11[%add3A_267, %dma_start3A_274] : memref<128x128xf32, #tpu.memory_space<vmem>> -> memref<1x128xf32, #tpu.memory_space<vmem>>
      %dma_start3A_276 = tpu.memref_squeeze %dma_start3A_275 : memref<1x128xf32, #tpu.memory_space<vmem>> -> memref<128xf32, #tpu.memory_space<vmem>>
      %dma_start3A_277 = arith.constant 0 : i32
      %dma_start3A_278 = tpu.memref_slice %arg5[%squeeze3A_265, %dma_start3A_277] : memref<500000x128xf32, #tpu.memory_space<hbm>> -> memref<1x128xf32, #tpu.memory_space<hbm>>
      %dma_start3A_279 = tpu.memref_squeeze %dma_start3A_278 : memref<1x128xf32, #tpu.memory_space<hbm>> -> memref<128xf32, #tpu.memory_space<hbm>>
      tpu.enqueue_dma source(%dma_start3A_279 : memref<128xf32, #tpu.memory_space<hbm>>) target(%dma_start3A_276 : memref<128xf32, #tpu.memory_space<vmem>>) target_semaphore(%arg13 : memref<!tpu.dma_semaphore, #tpu.memory_space<semaphore_mem>>)
      %slice3A_280 = vector.extract_strided_slice %get3A_23 {offsets = [8], sizes = [1], strides = [1]} : vector<16xi32> to vector<1xi32>
      %squeeze3A_281 = vector.extract %slice3A_280[0] : i32 from vector<1xi32>
      %add3A_282 = arith.constant 8 : i32
      %add3A_283 = arith.addi %mul3A_21, %add3A_282 : i32
      %dma_start3A_284 = arith.constant 0 : i32
      %dma_start3A_285 = tpu.memref_slice %arg10[%add3A_283, %dma_start3A_284] : memref<128x128xf32, #tpu.memory_space<vmem>> -> memref<1x128xf32, #tpu.memory_space<vmem>>
      %dma_start3A_286 = tpu.memref_squeeze %dma_start3A_285 : memref<1x128xf32, #tpu.memory_space<vmem>> -> memref<128xf32, #tpu.memory_space<vmem>>
      %dma_start3A_287 = arith.constant 0 : i32
      %dma_start3A_288 = tpu.memref_slice %arg4[%squeeze3A_281, %dma_start3A_287] : memref<500000x128xf32, #tpu.memory_space<hbm>> -> memref<1x128xf32, #tpu.memory_space<hbm>>
      %dma_start3A_289 = tpu.memref_squeeze %dma_start3A_288 : memref<1x128xf32, #tpu.memory_space<hbm>> -> memref<128xf32, #tpu.memory_space<hbm>>
      %dma_start3A_290 = arith.constant 0 : i32
      %dma_start3A_291 = tpu.memref_slice %arg10[%add3A_283, %dma_start3A_290] : memref<128x128xf32, #tpu.memory_space<vmem>> -> memref<1x128xf32, #tpu.memory_space<vmem>>
      %dma_start3A_292 = tpu.memref_squeeze %dma_start3A_291 : memref<1x128xf32, #tpu.memory_space<vmem>> -> memref<128xf32, #tpu.memory_space<vmem>>
      %dma_start3A_293 = arith.constant 0 : i32
      %dma_start3A_294 = tpu.memref_slice %arg4[%squeeze3A_281, %dma_start3A_293] : memref<500000x128xf32, #tpu.memory_space<hbm>> -> memref<1x128xf32, #tpu.memory_space<hbm>>
      %dma_start3A_295 = tpu.memref_squeeze %dma_start3A_294 : memref<1x128xf32, #tpu.memory_space<hbm>> -> memref<128xf32, #tpu.memory_space<hbm>>
      tpu.enqueue_dma source(%dma_start3A_295 : memref<128xf32, #tpu.memory_space<hbm>>) target(%dma_start3A_292 : memref<128xf32, #tpu.memory_space<vmem>>) target_semaphore(%arg12 : memref<!tpu.dma_semaphore, #tpu.memory_space<semaphore_mem>>)
      %slice3A_296 = vector.extract_strided_slice %get3A_26 {offsets = [8], sizes = [1], strides = [1]} : vector<16xi32> to vector<1xi32>
      %squeeze3A_297 = vector.extract %slice3A_296[0] : i32 from vector<1xi32>
      %add3A_298 = arith.constant 8 : i32
      %add3A_299 = arith.addi %mul3A_21, %add3A_298 : i32
      %dma_start3A_300 = arith.constant 0 : i32
      %dma_start3A_301 = tpu.memref_slice %arg11[%add3A_299, %dma_start3A_300] : memref<128x128xf32, #tpu.memory_space<vmem>> -> memref<1x128xf32, #tpu.memory_space<vmem>>
      %dma_start3A_302 = tpu.memref_squeeze %dma_start3A_301 : memref<1x128xf32, #tpu.memory_space<vmem>> -> memref<128xf32, #tpu.memory_space<vmem>>
      %dma_start3A_303 = arith.constant 0 : i32
      %dma_start3A_304 = tpu.memref_slice %arg5[%squeeze3A_297, %dma_start3A_303] : memref<500000x128xf32, #tpu.memory_space<hbm>> -> memref<1x128xf32, #tpu.memory_space<hbm>>
      %dma_start3A_305 = tpu.memref_squeeze %dma_start3A_304 : memref<1x128xf32, #tpu.memory_space<hbm>> -> memref<128xf32, #tpu.memory_space<hbm>>
      %dma_start3A_306 = arith.constant 0 : i32
      %dma_start3A_307 = tpu.memref_slice %arg11[%add3A_299, %dma_start3A_306] : memref<128x128xf32, #tpu.memory_space<vmem>> -> memref<1x128xf32, #tpu.memory_space<vmem>>
      %dma_start3A_308 = tpu.memref_squeeze %dma_start3A_307 : memref<1x128xf32, #tpu.memory_space<vmem>> -> memref<128xf32, #tpu.memory_space<vmem>>
      %dma_start3A_309 = arith.constant 0 : i32
      %dma_start3A_310 = tpu.memref_slice %arg5[%squeeze3A_297, %dma_start3A_309] : memref<500000x128xf32, #tpu.memory_space<hbm>> -> memref<1x128xf32, #tpu.memory_space<hbm>>
      %dma_start3A_311 = tpu.memref_squeeze %dma_start3A_310 : memref<1x128xf32, #tpu.memory_space<hbm>> -> memref<128xf32, #tpu.memory_space<hbm>>
      tpu.enqueue_dma source(%dma_start3A_311 : memref<128xf32, #tpu.memory_space<hbm>>) target(%dma_start3A_308 : memref<128xf32, #tpu.memory_space<vmem>>) target_semaphore(%arg13 : memref<!tpu.dma_semaphore, #tpu.memory_space<semaphore_mem>>)
      %slice3A_312 = vector.extract_strided_slice %get3A_23 {offsets = [9], sizes = [1], strides = [1]} : vector<16xi32> to vector<1xi32>
      %squeeze3A_313 = vector.extract %slice3A_312[0] : i32 from vector<1xi32>
      %add3A_314 = arith.constant 9 : i32
      %add3A_315 = arith.addi %mul3A_21, %add3A_314 : i32
      %dma_start3A_316 = arith.constant 0 : i32
      %dma_start3A_317 = tpu.memref_slice %arg10[%add3A_315, %dma_start3A_316] : memref<128x128xf32, #tpu.memory_space<vmem>> -> memref<1x128xf32, #tpu.memory_space<vmem>>
      %dma_start3A_318 = tpu.memref_squeeze %dma_start3A_317 : memref<1x128xf32, #tpu.memory_space<vmem>> -> memref<128xf32, #tpu.memory_space<vmem>>
      %dma_start3A_319 = arith.constant 0 : i32
      %dma_start3A_320 = tpu.memref_slice %arg4[%squeeze3A_313, %dma_start3A_319] : memref<500000x128xf32, #tpu.memory_space<hbm>> -> memref<1x128xf32, #tpu.memory_space<hbm>>
      %dma_start3A_321 = tpu.memref_squeeze %dma_start3A_320 : memref<1x128xf32, #tpu.memory_space<hbm>> -> memref<128xf32, #tpu.memory_space<hbm>>
      %dma_start3A_322 = arith.constant 0 : i32
      %dma_start3A_323 = tpu.memref_slice %arg10[%add3A_315, %dma_start3A_322] : memref<128x128xf32, #tpu.memory_space<vmem>> -> memref<1x128xf32, #tpu.memory_space<vmem>>
      %dma_start3A_324 = tpu.memref_squeeze %dma_start3A_323 : memref<1x128xf32, #tpu.memory_space<vmem>> -> memref<128xf32, #tpu.memory_space<vmem>>
      %dma_start3A_325 = arith.constant 0 : i32
      %dma_start3A_326 = tpu.memref_slice %arg4[%squeeze3A_313, %dma_start3A_325] : memref<500000x128xf32, #tpu.memory_space<hbm>> -> memref<1x128xf32, #tpu.memory_space<hbm>>
      %dma_start3A_327 = tpu.memref_squeeze %dma_start3A_326 : memref<1x128xf32, #tpu.memory_space<hbm>> -> memref<128xf32, #tpu.memory_space<hbm>>
      tpu.enqueue_dma source(%dma_start3A_327 : memref<128xf32, #tpu.memory_space<hbm>>) target(%dma_start3A_324 : memref<128xf32, #tpu.memory_space<vmem>>) target_semaphore(%arg12 : memref<!tpu.dma_semaphore, #tpu.memory_space<semaphore_mem>>)
      %slice3A_328 = vector.extract_strided_slice %get3A_26 {offsets = [9], sizes = [1], strides = [1]} : vector<16xi32> to vector<1xi32>
      %squeeze3A_329 = vector.extract %slice3A_328[0] : i32 from vector<1xi32>
      %add3A_330 = arith.constant 9 : i32
      %add3A_331 = arith.addi %mul3A_21, %add3A_330 : i32
      %dma_start3A_332 = arith.constant 0 : i32
      %dma_start3A_333 = tpu.memref_slice %arg11[%add3A_331, %dma_start3A_332] : memref<128x128xf32, #tpu.memory_space<vmem>> -> memref<1x128xf32, #tpu.memory_space<vmem>>
      %dma_start3A_334 = tpu.memref_squeeze %dma_start3A_333 : memref<1x128xf32, #tpu.memory_space<vmem>> -> memref<128xf32, #tpu.memory_space<vmem>>
      %dma_start3A_335 = arith.constant 0 : i32
      %dma_start3A_336 = tpu.memref_slice %arg5[%squeeze3A_329, %dma_start3A_335] : memref<500000x128xf32, #tpu.memory_space<hbm>> -> memref<1x128xf32, #tpu.memory_space<hbm>>
      %dma_start3A_337 = tpu.memref_squeeze %dma_start3A_336 : memref<1x128xf32, #tpu.memory_space<hbm>> -> memref<128xf32, #tpu.memory_space<hbm>>
      %dma_start3A_338 = arith.constant 0 : i32
      %dma_start3A_339 = tpu.memref_slice %arg11[%add3A_331, %dma_start3A_338] : memref<128x128xf32, #tpu.memory_space<vmem>> -> memref<1x128xf32, #tpu.memory_space<vmem>>
      %dma_start3A_340 = tpu.memref_squeeze %dma_start3A_339 : memref<1x128xf32, #tpu.memory_space<vmem>> -> memref<128xf32, #tpu.memory_space<vmem>>
      %dma_start3A_341 = arith.constant 0 : i32
      %dma_start3A_342 = tpu.memref_slice %arg5[%squeeze3A_329, %dma_start3A_341] : memref<500000x128xf32, #tpu.memory_space<hbm>> -> memref<1x128xf32, #tpu.memory_space<hbm>>
      %dma_start3A_343 = tpu.memref_squeeze %dma_start3A_342 : memref<1x128xf32, #tpu.memory_space<hbm>> -> memref<128xf32, #tpu.memory_space<hbm>>
      tpu.enqueue_dma source(%dma_start3A_343 : memref<128xf32, #tpu.memory_space<hbm>>) target(%dma_start3A_340 : memref<128xf32, #tpu.memory_space<vmem>>) target_semaphore(%arg13 : memref<!tpu.dma_semaphore, #tpu.memory_space<semaphore_mem>>)
      %slice3A_344 = vector.extract_strided_slice %get3A_23 {offsets = [10], sizes = [1], strides = [1]} : vector<16xi32> to vector<1xi32>
      %squeeze3A_345 = vector.extract %slice3A_344[0] : i32 from vector<1xi32>
      %add3A_346 = arith.constant 10 : i32
      %add3A_347 = arith.addi %mul3A_21, %add3A_346 : i32
      %dma_start3A_348 = arith.constant 0 : i32
      %dma_start3A_349 = tpu.memref_slice %arg10[%add3A_347, %dma_start3A_348] : memref<128x128xf32, #tpu.memory_space<vmem>> -> memref<1x128xf32, #tpu.memory_space<vmem>>
      %dma_start3A_350 = tpu.memref_squeeze %dma_start3A_349 : memref<1x128xf32, #tpu.memory_space<vmem>> -> memref<128xf32, #tpu.memory_space<vmem>>
      %dma_start3A_351 = arith.constant 0 : i32
      %dma_start3A_352 = tpu.memref_slice %arg4[%squeeze3A_345, %dma_start3A_351] : memref<500000x128xf32, #tpu.memory_space<hbm>> -> memref<1x128xf32, #tpu.memory_space<hbm>>
      %dma_start3A_353 = tpu.memref_squeeze %dma_start3A_352 : memref<1x128xf32, #tpu.memory_space<hbm>> -> memref<128xf32, #tpu.memory_space<hbm>>
      %dma_start3A_354 = arith.constant 0 : i32
      %dma_start3A_355 = tpu.memref_slice %arg10[%add3A_347, %dma_start3A_354] : memref<128x128xf32, #tpu.memory_space<vmem>> -> memref<1x128xf32, #tpu.memory_space<vmem>>
      %dma_start3A_356 = tpu.memref_squeeze %dma_start3A_355 : memref<1x128xf32, #tpu.memory_space<vmem>> -> memref<128xf32, #tpu.memory_space<vmem>>
      %dma_start3A_357 = arith.constant 0 : i32
      %dma_start3A_358 = tpu.memref_slice %arg4[%squeeze3A_345, %dma_start3A_357] : memref<500000x128xf32, #tpu.memory_space<hbm>> -> memref<1x128xf32, #tpu.memory_space<hbm>>
      %dma_start3A_359 = tpu.memref_squeeze %dma_start3A_358 : memref<1x128xf32, #tpu.memory_space<hbm>> -> memref<128xf32, #tpu.memory_space<hbm>>
      tpu.enqueue_dma source(%dma_start3A_359 : memref<128xf32, #tpu.memory_space<hbm>>) target(%dma_start3A_356 : memref<128xf32, #tpu.memory_space<vmem>>) target_semaphore(%arg12 : memref<!tpu.dma_semaphore, #tpu.memory_space<semaphore_mem>>)
      %slice3A_360 = vector.extract_strided_slice %get3A_26 {offsets = [10], sizes = [1], strides = [1]} : vector<16xi32> to vector<1xi32>
      %squeeze3A_361 = vector.extract %slice3A_360[0] : i32 from vector<1xi32>
      %add3A_362 = arith.constant 10 : i32
      %add3A_363 = arith.addi %mul3A_21, %add3A_362 : i32
      %dma_start3A_364 = arith.constant 0 : i32
      %dma_start3A_365 = tpu.memref_slice %arg11[%add3A_363, %dma_start3A_364] : memref<128x128xf32, #tpu.memory_space<vmem>> -> memref<1x128xf32, #tpu.memory_space<vmem>>
      %dma_start3A_366 = tpu.memref_squeeze %dma_start3A_365 : memref<1x128xf32, #tpu.memory_space<vmem>> -> memref<128xf32, #tpu.memory_space<vmem>>
      %dma_start3A_367 = arith.constant 0 : i32
      %dma_start3A_368 = tpu.memref_slice %arg5[%squeeze3A_361, %dma_start3A_367] : memref<500000x128xf32, #tpu.memory_space<hbm>> -> memref<1x128xf32, #tpu.memory_space<hbm>>
      %dma_start3A_369 = tpu.memref_squeeze %dma_start3A_368 : memref<1x128xf32, #tpu.memory_space<hbm>> -> memref<128xf32, #tpu.memory_space<hbm>>
      %dma_start3A_370 = arith.constant 0 : i32
      %dma_start3A_371 = tpu.memref_slice %arg11[%add3A_363, %dma_start3A_370] : memref<128x128xf32, #tpu.memory_space<vmem>> -> memref<1x128xf32, #tpu.memory_space<vmem>>
      %dma_start3A_372 = tpu.memref_squeeze %dma_start3A_371 : memref<1x128xf32, #tpu.memory_space<vmem>> -> memref<128xf32, #tpu.memory_space<vmem>>
      %dma_start3A_373 = arith.constant 0 : i32
      %dma_start3A_374 = tpu.memref_slice %arg5[%squeeze3A_361, %dma_start3A_373] : memref<500000x128xf32, #tpu.memory_space<hbm>> -> memref<1x128xf32, #tpu.memory_space<hbm>>
      %dma_start3A_375 = tpu.memref_squeeze %dma_start3A_374 : memref<1x128xf32, #tpu.memory_space<hbm>> -> memref<128xf32, #tpu.memory_space<hbm>>
      tpu.enqueue_dma source(%dma_start3A_375 : memref<128xf32, #tpu.memory_space<hbm>>) target(%dma_start3A_372 : memref<128xf32, #tpu.memory_space<vmem>>) target_semaphore(%arg13 : memref<!tpu.dma_semaphore, #tpu.memory_space<semaphore_mem>>)
      %slice3A_376 = vector.extract_strided_slice %get3A_23 {offsets = [11], sizes = [1], strides = [1]} : vector<16xi32> to vector<1xi32>
      %squeeze3A_377 = vector.extract %slice3A_376[0] : i32 from vector<1xi32>
      %add3A_378 = arith.constant 11 : i32
      %add3A_379 = arith.addi %mul3A_21, %add3A_378 : i32
      %dma_start3A_380 = arith.constant 0 : i32
      %dma_start3A_381 = tpu.memref_slice %arg10[%add3A_379, %dma_start3A_380] : memref<128x128xf32, #tpu.memory_space<vmem>> -> memref<1x128xf32, #tpu.memory_space<vmem>>
      %dma_start3A_382 = tpu.memref_squeeze %dma_start3A_381 : memref<1x128xf32, #tpu.memory_space<vmem>> -> memref<128xf32, #tpu.memory_space<vmem>>
      %dma_start3A_383 = arith.constant 0 : i32
      %dma_start3A_384 = tpu.memref_slice %arg4[%squeeze3A_377, %dma_start3A_383] : memref<500000x128xf32, #tpu.memory_space<hbm>> -> memref<1x128xf32, #tpu.memory_space<hbm>>
      %dma_start3A_385 = tpu.memref_squeeze %dma_start3A_384 : memref<1x128xf32, #tpu.memory_space<hbm>> -> memref<128xf32, #tpu.memory_space<hbm>>
      %dma_start3A_386 = arith.constant 0 : i32
      %dma_start3A_387 = tpu.memref_slice %arg10[%add3A_379, %dma_start3A_386] : memref<128x128xf32, #tpu.memory_space<vmem>> -> memref<1x128xf32, #tpu.memory_space<vmem>>
      %dma_start3A_388 = tpu.memref_squeeze %dma_start3A_387 : memref<1x128xf32, #tpu.memory_space<vmem>> -> memref<128xf32, #tpu.memory_space<vmem>>
      %dma_start3A_389 = arith.constant 0 : i32
      %dma_start3A_390 = tpu.memref_slice %arg4[%squeeze3A_377, %dma_start3A_389] : memref<500000x128xf32, #tpu.memory_space<hbm>> -> memref<1x128xf32, #tpu.memory_space<hbm>>
      %dma_start3A_391 = tpu.memref_squeeze %dma_start3A_390 : memref<1x128xf32, #tpu.memory_space<hbm>> -> memref<128xf32, #tpu.memory_space<hbm>>
      tpu.enqueue_dma source(%dma_start3A_391 : memref<128xf32, #tpu.memory_space<hbm>>) target(%dma_start3A_388 : memref<128xf32, #tpu.memory_space<vmem>>) target_semaphore(%arg12 : memref<!tpu.dma_semaphore, #tpu.memory_space<semaphore_mem>>)
      %slice3A_392 = vector.extract_strided_slice %get3A_26 {offsets = [11], sizes = [1], strides = [1]} : vector<16xi32> to vector<1xi32>
      %squeeze3A_393 = vector.extract %slice3A_392[0] : i32 from vector<1xi32>
      %add3A_394 = arith.constant 11 : i32
      %add3A_395 = arith.addi %mul3A_21, %add3A_394 : i32
      %dma_start3A_396 = arith.constant 0 : i32
      %dma_start3A_397 = tpu.memref_slice %arg11[%add3A_395, %dma_start3A_396] : memref<128x128xf32, #tpu.memory_space<vmem>> -> memref<1x128xf32, #tpu.memory_space<vmem>>
      %dma_start3A_398 = tpu.memref_squeeze %dma_start3A_397 : memref<1x128xf32, #tpu.memory_space<vmem>> -> memref<128xf32, #tpu.memory_space<vmem>>
      %dma_start3A_399 = arith.constant 0 : i32
      %dma_start3A_400 = tpu.memref_slice %arg5[%squeeze3A_393, %dma_start3A_399] : memref<500000x128xf32, #tpu.memory_space<hbm>> -> memref<1x128xf32, #tpu.memory_space<hbm>>
      %dma_start3A_401 = tpu.memref_squeeze %dma_start3A_400 : memref<1x128xf32, #tpu.memory_space<hbm>> -> memref<128xf32, #tpu.memory_space<hbm>>
      %dma_start3A_402 = arith.constant 0 : i32
      %dma_start3A_403 = tpu.memref_slice %arg11[%add3A_395, %dma_start3A_402] : memref<128x128xf32, #tpu.memory_space<vmem>> -> memref<1x128xf32, #tpu.memory_space<vmem>>
      %dma_start3A_404 = tpu.memref_squeeze %dma_start3A_403 : memref<1x128xf32, #tpu.memory_space<vmem>> -> memref<128xf32, #tpu.memory_space<vmem>>
      %dma_start3A_405 = arith.constant 0 : i32
      %dma_start3A_406 = tpu.memref_slice %arg5[%squeeze3A_393, %dma_start3A_405] : memref<500000x128xf32, #tpu.memory_space<hbm>> -> memref<1x128xf32, #tpu.memory_space<hbm>>
      %dma_start3A_407 = tpu.memref_squeeze %dma_start3A_406 : memref<1x128xf32, #tpu.memory_space<hbm>> -> memref<128xf32, #tpu.memory_space<hbm>>
      tpu.enqueue_dma source(%dma_start3A_407 : memref<128xf32, #tpu.memory_space<hbm>>) target(%dma_start3A_404 : memref<128xf32, #tpu.memory_space<vmem>>) target_semaphore(%arg13 : memref<!tpu.dma_semaphore, #tpu.memory_space<semaphore_mem>>)
      %slice3A_408 = vector.extract_strided_slice %get3A_23 {offsets = [12], sizes = [1], strides = [1]} : vector<16xi32> to vector<1xi32>
      %squeeze3A_409 = vector.extract %slice3A_408[0] : i32 from vector<1xi32>
      %add3A_410 = arith.constant 12 : i32
      %add3A_411 = arith.addi %mul3A_21, %add3A_410 : i32
      %dma_start3A_412 = arith.constant 0 : i32
      %dma_start3A_413 = tpu.memref_slice %arg10[%add3A_411, %dma_start3A_412] : memref<128x128xf32, #tpu.memory_space<vmem>> -> memref<1x128xf32, #tpu.memory_space<vmem>>
      %dma_start3A_414 = tpu.memref_squeeze %dma_start3A_413 : memref<1x128xf32, #tpu.memory_space<vmem>> -> memref<128xf32, #tpu.memory_space<vmem>>
      %dma_start3A_415 = arith.constant 0 : i32
      %dma_start3A_416 = tpu.memref_slice %arg4[%squeeze3A_409, %dma_start3A_415] : memref<500000x128xf32, #tpu.memory_space<hbm>> -> memref<1x128xf32, #tpu.memory_space<hbm>>
      %dma_start3A_417 = tpu.memref_squeeze %dma_start3A_416 : memref<1x128xf32, #tpu.memory_space<hbm>> -> memref<128xf32, #tpu.memory_space<hbm>>
      %dma_start3A_418 = arith.constant 0 : i32
      %dma_start3A_419 = tpu.memref_slice %arg10[%add3A_411, %dma_start3A_418] : memref<128x128xf32, #tpu.memory_space<vmem>> -> memref<1x128xf32, #tpu.memory_space<vmem>>
      %dma_start3A_420 = tpu.memref_squeeze %dma_start3A_419 : memref<1x128xf32, #tpu.memory_space<vmem>> -> memref<128xf32, #tpu.memory_space<vmem>>
      %dma_start3A_421 = arith.constant 0 : i32
      %dma_start3A_422 = tpu.memref_slice %arg4[%squeeze3A_409, %dma_start3A_421] : memref<500000x128xf32, #tpu.memory_space<hbm>> -> memref<1x128xf32, #tpu.memory_space<hbm>>
      %dma_start3A_423 = tpu.memref_squeeze %dma_start3A_422 : memref<1x128xf32, #tpu.memory_space<hbm>> -> memref<128xf32, #tpu.memory_space<hbm>>
      tpu.enqueue_dma source(%dma_start3A_423 : memref<128xf32, #tpu.memory_space<hbm>>) target(%dma_start3A_420 : memref<128xf32, #tpu.memory_space<vmem>>) target_semaphore(%arg12 : memref<!tpu.dma_semaphore, #tpu.memory_space<semaphore_mem>>)
      %slice3A_424 = vector.extract_strided_slice %get3A_26 {offsets = [12], sizes = [1], strides = [1]} : vector<16xi32> to vector<1xi32>
      %squeeze3A_425 = vector.extract %slice3A_424[0] : i32 from vector<1xi32>
      %add3A_426 = arith.constant 12 : i32
      %add3A_427 = arith.addi %mul3A_21, %add3A_426 : i32
      %dma_start3A_428 = arith.constant 0 : i32
      %dma_start3A_429 = tpu.memref_slice %arg11[%add3A_427, %dma_start3A_428] : memref<128x128xf32, #tpu.memory_space<vmem>> -> memref<1x128xf32, #tpu.memory_space<vmem>>
      %dma_start3A_430 = tpu.memref_squeeze %dma_start3A_429 : memref<1x128xf32, #tpu.memory_space<vmem>> -> memref<128xf32, #tpu.memory_space<vmem>>
      %dma_start3A_431 = arith.constant 0 : i32
      %dma_start3A_432 = tpu.memref_slice %arg5[%squeeze3A_425, %dma_start3A_431] : memref<500000x128xf32, #tpu.memory_space<hbm>> -> memref<1x128xf32, #tpu.memory_space<hbm>>
      %dma_start3A_433 = tpu.memref_squeeze %dma_start3A_432 : memref<1x128xf32, #tpu.memory_space<hbm>> -> memref<128xf32, #tpu.memory_space<hbm>>
      %dma_start3A_434 = arith.constant 0 : i32
      %dma_start3A_435 = tpu.memref_slice %arg11[%add3A_427, %dma_start3A_434] : memref<128x128xf32, #tpu.memory_space<vmem>> -> memref<1x128xf32, #tpu.memory_space<vmem>>
      %dma_start3A_436 = tpu.memref_squeeze %dma_start3A_435 : memref<1x128xf32, #tpu.memory_space<vmem>> -> memref<128xf32, #tpu.memory_space<vmem>>
      %dma_start3A_437 = arith.constant 0 : i32
      %dma_start3A_438 = tpu.memref_slice %arg5[%squeeze3A_425, %dma_start3A_437] : memref<500000x128xf32, #tpu.memory_space<hbm>> -> memref<1x128xf32, #tpu.memory_space<hbm>>
      %dma_start3A_439 = tpu.memref_squeeze %dma_start3A_438 : memref<1x128xf32, #tpu.memory_space<hbm>> -> memref<128xf32, #tpu.memory_space<hbm>>
      tpu.enqueue_dma source(%dma_start3A_439 : memref<128xf32, #tpu.memory_space<hbm>>) target(%dma_start3A_436 : memref<128xf32, #tpu.memory_space<vmem>>) target_semaphore(%arg13 : memref<!tpu.dma_semaphore, #tpu.memory_space<semaphore_mem>>)
      %slice3A_440 = vector.extract_strided_slice %get3A_23 {offsets = [13], sizes = [1], strides = [1]} : vector<16xi32> to vector<1xi32>
      %squeeze3A_441 = vector.extract %slice3A_440[0] : i32 from vector<1xi32>
      %add3A_442 = arith.constant 13 : i32
      %add3A_443 = arith.addi %mul3A_21, %add3A_442 : i32
      %dma_start3A_444 = arith.constant 0 : i32
      %dma_start3A_445 = tpu.memref_slice %arg10[%add3A_443, %dma_start3A_444] : memref<128x128xf32, #tpu.memory_space<vmem>> -> memref<1x128xf32, #tpu.memory_space<vmem>>
      %dma_start3A_446 = tpu.memref_squeeze %dma_start3A_445 : memref<1x128xf32, #tpu.memory_space<vmem>> -> memref<128xf32, #tpu.memory_space<vmem>>
      %dma_start3A_447 = arith.constant 0 : i32
      %dma_start3A_448 = tpu.memref_slice %arg4[%squeeze3A_441, %dma_start3A_447] : memref<500000x128xf32, #tpu.memory_space<hbm>> -> memref<1x128xf32, #tpu.memory_space<hbm>>
      %dma_start3A_449 = tpu.memref_squeeze %dma_start3A_448 : memref<1x128xf32, #tpu.memory_space<hbm>> -> memref<128xf32, #tpu.memory_space<hbm>>
      %dma_start3A_450 = arith.constant 0 : i32
      %dma_start3A_451 = tpu.memref_slice %arg10[%add3A_443, %dma_start3A_450] : memref<128x128xf32, #tpu.memory_space<vmem>> -> memref<1x128xf32, #tpu.memory_space<vmem>>
      %dma_start3A_452 = tpu.memref_squeeze %dma_start3A_451 : memref<1x128xf32, #tpu.memory_space<vmem>> -> memref<128xf32, #tpu.memory_space<vmem>>
      %dma_start3A_453 = arith.constant 0 : i32
      %dma_start3A_454 = tpu.memref_slice %arg4[%squeeze3A_441, %dma_start3A_453] : memref<500000x128xf32, #tpu.memory_space<hbm>> -> memref<1x128xf32, #tpu.memory_space<hbm>>
      %dma_start3A_455 = tpu.memref_squeeze %dma_start3A_454 : memref<1x128xf32, #tpu.memory_space<hbm>> -> memref<128xf32, #tpu.memory_space<hbm>>
      tpu.enqueue_dma source(%dma_start3A_455 : memref<128xf32, #tpu.memory_space<hbm>>) target(%dma_start3A_452 : memref<128xf32, #tpu.memory_space<vmem>>) target_semaphore(%arg12 : memref<!tpu.dma_semaphore, #tpu.memory_space<semaphore_mem>>)
      %slice3A_456 = vector.extract_strided_slice %get3A_26 {offsets = [13], sizes = [1], strides = [1]} : vector<16xi32> to vector<1xi32>
      %squeeze3A_457 = vector.extract %slice3A_456[0] : i32 from vector<1xi32>
      %add3A_458 = arith.constant 13 : i32
      %add3A_459 = arith.addi %mul3A_21, %add3A_458 : i32
      %dma_start3A_460 = arith.constant 0 : i32
      %dma_start3A_461 = tpu.memref_slice %arg11[%add3A_459, %dma_start3A_460] : memref<128x128xf32, #tpu.memory_space<vmem>> -> memref<1x128xf32, #tpu.memory_space<vmem>>
      %dma_start3A_462 = tpu.memref_squeeze %dma_start3A_461 : memref<1x128xf32, #tpu.memory_space<vmem>> -> memref<128xf32, #tpu.memory_space<vmem>>
      %dma_start3A_463 = arith.constant 0 : i32
      %dma_start3A_464 = tpu.memref_slice %arg5[%squeeze3A_457, %dma_start3A_463] : memref<500000x128xf32, #tpu.memory_space<hbm>> -> memref<1x128xf32, #tpu.memory_space<hbm>>
      %dma_start3A_465 = tpu.memref_squeeze %dma_start3A_464 : memref<1x128xf32, #tpu.memory_space<hbm>> -> memref<128xf32, #tpu.memory_space<hbm>>
      %dma_start3A_466 = arith.constant 0 : i32
      %dma_start3A_467 = tpu.memref_slice %arg11[%add3A_459, %dma_start3A_466] : memref<128x128xf32, #tpu.memory_space<vmem>> -> memref<1x128xf32, #tpu.memory_space<vmem>>
      %dma_start3A_468 = tpu.memref_squeeze %dma_start3A_467 : memref<1x128xf32, #tpu.memory_space<vmem>> -> memref<128xf32, #tpu.memory_space<vmem>>
      %dma_start3A_469 = arith.constant 0 : i32
      %dma_start3A_470 = tpu.memref_slice %arg5[%squeeze3A_457, %dma_start3A_469] : memref<500000x128xf32, #tpu.memory_space<hbm>> -> memref<1x128xf32, #tpu.memory_space<hbm>>
      %dma_start3A_471 = tpu.memref_squeeze %dma_start3A_470 : memref<1x128xf32, #tpu.memory_space<hbm>> -> memref<128xf32, #tpu.memory_space<hbm>>
      tpu.enqueue_dma source(%dma_start3A_471 : memref<128xf32, #tpu.memory_space<hbm>>) target(%dma_start3A_468 : memref<128xf32, #tpu.memory_space<vmem>>) target_semaphore(%arg13 : memref<!tpu.dma_semaphore, #tpu.memory_space<semaphore_mem>>)
      %slice3A_472 = vector.extract_strided_slice %get3A_23 {offsets = [14], sizes = [1], strides = [1]} : vector<16xi32> to vector<1xi32>
      %squeeze3A_473 = vector.extract %slice3A_472[0] : i32 from vector<1xi32>
      %add3A_474 = arith.constant 14 : i32
      %add3A_475 = arith.addi %mul3A_21, %add3A_474 : i32
      %dma_start3A_476 = arith.constant 0 : i32
      %dma_start3A_477 = tpu.memref_slice %arg10[%add3A_475, %dma_start3A_476] : memref<128x128xf32, #tpu.memory_space<vmem>> -> memref<1x128xf32, #tpu.memory_space<vmem>>
      %dma_start3A_478 = tpu.memref_squeeze %dma_start3A_477 : memref<1x128xf32, #tpu.memory_space<vmem>> -> memref<128xf32, #tpu.memory_space<vmem>>
      %dma_start3A_479 = arith.constant 0 : i32
      %dma_start3A_480 = tpu.memref_slice %arg4[%squeeze3A_473, %dma_start3A_479] : memref<500000x128xf32, #tpu.memory_space<hbm>> -> memref<1x128xf32, #tpu.memory_space<hbm>>
      %dma_start3A_481 = tpu.memref_squeeze %dma_start3A_480 : memref<1x128xf32, #tpu.memory_space<hbm>> -> memref<128xf32, #tpu.memory_space<hbm>>
      %dma_start3A_482 = arith.constant 0 : i32
      %dma_start3A_483 = tpu.memref_slice %arg10[%add3A_475, %dma_start3A_482] : memref<128x128xf32, #tpu.memory_space<vmem>> -> memref<1x128xf32, #tpu.memory_space<vmem>>
      %dma_start3A_484 = tpu.memref_squeeze %dma_start3A_483 : memref<1x128xf32, #tpu.memory_space<vmem>> -> memref<128xf32, #tpu.memory_space<vmem>>
      %dma_start3A_485 = arith.constant 0 : i32
      %dma_start3A_486 = tpu.memref_slice %arg4[%squeeze3A_473, %dma_start3A_485] : memref<500000x128xf32, #tpu.memory_space<hbm>> -> memref<1x128xf32, #tpu.memory_space<hbm>>
      %dma_start3A_487 = tpu.memref_squeeze %dma_start3A_486 : memref<1x128xf32, #tpu.memory_space<hbm>> -> memref<128xf32, #tpu.memory_space<hbm>>
      tpu.enqueue_dma source(%dma_start3A_487 : memref<128xf32, #tpu.memory_space<hbm>>) target(%dma_start3A_484 : memref<128xf32, #tpu.memory_space<vmem>>) target_semaphore(%arg12 : memref<!tpu.dma_semaphore, #tpu.memory_space<semaphore_mem>>)
      %slice3A_488 = vector.extract_strided_slice %get3A_26 {offsets = [14], sizes = [1], strides = [1]} : vector<16xi32> to vector<1xi32>
      %squeeze3A_489 = vector.extract %slice3A_488[0] : i32 from vector<1xi32>
      %add3A_490 = arith.constant 14 : i32
      %add3A_491 = arith.addi %mul3A_21, %add3A_490 : i32
      %dma_start3A_492 = arith.constant 0 : i32
      %dma_start3A_493 = tpu.memref_slice %arg11[%add3A_491, %dma_start3A_492] : memref<128x128xf32, #tpu.memory_space<vmem>> -> memref<1x128xf32, #tpu.memory_space<vmem>>
      %dma_start3A_494 = tpu.memref_squeeze %dma_start3A_493 : memref<1x128xf32, #tpu.memory_space<vmem>> -> memref<128xf32, #tpu.memory_space<vmem>>
      %dma_start3A_495 = arith.constant 0 : i32
      %dma_start3A_496 = tpu.memref_slice %arg5[%squeeze3A_489, %dma_start3A_495] : memref<500000x128xf32, #tpu.memory_space<hbm>> -> memref<1x128xf32, #tpu.memory_space<hbm>>
      %dma_start3A_497 = tpu.memref_squeeze %dma_start3A_496 : memref<1x128xf32, #tpu.memory_space<hbm>> -> memref<128xf32, #tpu.memory_space<hbm>>
      %dma_start3A_498 = arith.constant 0 : i32
      %dma_start3A_499 = tpu.memref_slice %arg11[%add3A_491, %dma_start3A_498] : memref<128x128xf32, #tpu.memory_space<vmem>> -> memref<1x128xf32, #tpu.memory_space<vmem>>
      %dma_start3A_500 = tpu.memref_squeeze %dma_start3A_499 : memref<1x128xf32, #tpu.memory_space<vmem>> -> memref<128xf32, #tpu.memory_space<vmem>>
      %dma_start3A_501 = arith.constant 0 : i32
      %dma_start3A_502 = tpu.memref_slice %arg5[%squeeze3A_489, %dma_start3A_501] : memref<500000x128xf32, #tpu.memory_space<hbm>> -> memref<1x128xf32, #tpu.memory_space<hbm>>
      %dma_start3A_503 = tpu.memref_squeeze %dma_start3A_502 : memref<1x128xf32, #tpu.memory_space<hbm>> -> memref<128xf32, #tpu.memory_space<hbm>>
      tpu.enqueue_dma source(%dma_start3A_503 : memref<128xf32, #tpu.memory_space<hbm>>) target(%dma_start3A_500 : memref<128xf32, #tpu.memory_space<vmem>>) target_semaphore(%arg13 : memref<!tpu.dma_semaphore, #tpu.memory_space<semaphore_mem>>)
      %slice3A_504 = vector.extract_strided_slice %get3A_23 {offsets = [15], sizes = [1], strides = [1]} : vector<16xi32> to vector<1xi32>
      %squeeze3A_505 = vector.extract %slice3A_504[0] : i32 from vector<1xi32>
      %add3A_506 = arith.constant 15 : i32
      %add3A_507 = arith.addi %mul3A_21, %add3A_506 : i32
      %dma_start3A_508 = arith.constant 0 : i32
      %dma_start3A_509 = tpu.memref_slice %arg10[%add3A_507, %dma_start3A_508] : memref<128x128xf32, #tpu.memory_space<vmem>> -> memref<1x128xf32, #tpu.memory_space<vmem>>
      %dma_start3A_510 = tpu.memref_squeeze %dma_start3A_509 : memref<1x128xf32, #tpu.memory_space<vmem>> -> memref<128xf32, #tpu.memory_space<vmem>>
      %dma_start3A_511 = arith.constant 0 : i32
      %dma_start3A_512 = tpu.memref_slice %arg4[%squeeze3A_505, %dma_start3A_511] : memref<500000x128xf32, #tpu.memory_space<hbm>> -> memref<1x128xf32, #tpu.memory_space<hbm>>
      %dma_start3A_513 = tpu.memref_squeeze %dma_start3A_512 : memref<1x128xf32, #tpu.memory_space<hbm>> -> memref<128xf32, #tpu.memory_space<hbm>>
      %dma_start3A_514 = arith.constant 0 : i32
      %dma_start3A_515 = tpu.memref_slice %arg10[%add3A_507, %dma_start3A_514] : memref<128x128xf32, #tpu.memory_space<vmem>> -> memref<1x128xf32, #tpu.memory_space<vmem>>
      %dma_start3A_516 = tpu.memref_squeeze %dma_start3A_515 : memref<1x128xf32, #tpu.memory_space<vmem>> -> memref<128xf32, #tpu.memory_space<vmem>>
      %dma_start3A_517 = arith.constant 0 : i32
      %dma_start3A_518 = tpu.memref_slice %arg4[%squeeze3A_505, %dma_start3A_517] : memref<500000x128xf32, #tpu.memory_space<hbm>> -> memref<1x128xf32, #tpu.memory_space<hbm>>
      %dma_start3A_519 = tpu.memref_squeeze %dma_start3A_518 : memref<1x128xf32, #tpu.memory_space<hbm>> -> memref<128xf32, #tpu.memory_space<hbm>>
      tpu.enqueue_dma source(%dma_start3A_519 : memref<128xf32, #tpu.memory_space<hbm>>) target(%dma_start3A_516 : memref<128xf32, #tpu.memory_space<vmem>>) target_semaphore(%arg12 : memref<!tpu.dma_semaphore, #tpu.memory_space<semaphore_mem>>)
      %slice3A_520 = vector.extract_strided_slice %get3A_26 {offsets = [15], sizes = [1], strides = [1]} : vector<16xi32> to vector<1xi32>
      %squeeze3A_521 = vector.extract %slice3A_520[0] : i32 from vector<1xi32>
      %add3A_522 = arith.constant 15 : i32
      %add3A_523 = arith.addi %mul3A_21, %add3A_522 : i32
      %dma_start3A_524 = arith.constant 0 : i32
      %dma_start3A_525 = tpu.memref_slice %arg11[%add3A_523, %dma_start3A_524] : memref<128x128xf32, #tpu.memory_space<vmem>> -> memref<1x128xf32, #tpu.memory_space<vmem>>
      %dma_start3A_526 = tpu.memref_squeeze %dma_start3A_525 : memref<1x128xf32, #tpu.memory_space<vmem>> -> memref<128xf32, #tpu.memory_space<vmem>>
      %dma_start3A_527 = arith.constant 0 : i32
      %dma_start3A_528 = tpu.memref_slice %arg5[%squeeze3A_521, %dma_start3A_527] : memref<500000x128xf32, #tpu.memory_space<hbm>> -> memref<1x128xf32, #tpu.memory_space<hbm>>
      %dma_start3A_529 = tpu.memref_squeeze %dma_start3A_528 : memref<1x128xf32, #tpu.memory_space<hbm>> -> memref<128xf32, #tpu.memory_space<hbm>>
      %dma_start3A_530 = arith.constant 0 : i32
      %dma_start3A_531 = tpu.memref_slice %arg11[%add3A_523, %dma_start3A_530] : memref<128x128xf32, #tpu.memory_space<vmem>> -> memref<1x128xf32, #tpu.memory_space<vmem>>
      %dma_start3A_532 = tpu.memref_squeeze %dma_start3A_531 : memref<1x128xf32, #tpu.memory_space<vmem>> -> memref<128xf32, #tpu.memory_space<vmem>>
      %dma_start3A_533 = arith.constant 0 : i32
      %dma_start3A_534 = tpu.memref_slice %arg5[%squeeze3A_521, %dma_start3A_533] : memref<500000x128xf32, #tpu.memory_space<hbm>> -> memref<1x128xf32, #tpu.memory_space<hbm>>
      %dma_start3A_535 = tpu.memref_squeeze %dma_start3A_534 : memref<1x128xf32, #tpu.memory_space<hbm>> -> memref<128xf32, #tpu.memory_space<hbm>>
      tpu.enqueue_dma source(%dma_start3A_535 : memref<128xf32, #tpu.memory_space<hbm>>) target(%dma_start3A_532 : memref<128xf32, #tpu.memory_space<vmem>>) target_semaphore(%arg13 : memref<!tpu.dma_semaphore, #tpu.memory_space<semaphore_mem>>)
    }
    %scan3A_7 = arith.constant 8 : i32
    %dma_wait3A = arith.constant 0 : i32
    %dma_wait3A_8 = arith.constant 0 : i32
    %dma_wait3A_9 = tpu.memref_slice %arg4[%dma_wait3A, %dma_wait3A_8] : memref<500000x128xf32, #tpu.memory_space<hbm>> -> memref<128x128xf32, #tpu.memory_space<hbm>>
    %dma_wait3A_10 = arith.constant 0 : i32
    %dma_wait3A_11 = arith.constant 0 : i32
    %dma_wait3A_12 = tpu.memref_slice %arg4[%dma_wait3A_10, %dma_wait3A_11] : memref<500000x128xf32, #tpu.memory_space<hbm>> -> memref<128x128xf32, #tpu.memory_space<hbm>>
    tpu.wait_dma2 semaphore(%arg12 : memref<!tpu.dma_semaphore, #tpu.memory_space<semaphore_mem>>) src(%dma_wait3A_12 : memref<128x128xf32, #tpu.memory_space<hbm>>) dst(%arg10 : memref<128x128xf32, #tpu.memory_space<vmem>>)
    %dma_wait3A_13 = arith.constant 0 : i32
    %dma_wait3A_14 = arith.constant 0 : i32
    %dma_wait3A_15 = tpu.memref_slice %arg5[%dma_wait3A_13, %dma_wait3A_14] : memref<500000x128xf32, #tpu.memory_space<hbm>> -> memref<128x128xf32, #tpu.memory_space<hbm>>
    %dma_wait3A_16 = arith.constant 0 : i32
    %dma_wait3A_17 = arith.constant 0 : i32
    %dma_wait3A_18 = tpu.memref_slice %arg5[%dma_wait3A_16, %dma_wait3A_17] : memref<500000x128xf32, #tpu.memory_space<hbm>> -> memref<128x128xf32, #tpu.memory_space<hbm>>
    tpu.wait_dma2 semaphore(%arg13 : memref<!tpu.dma_semaphore, #tpu.memory_space<semaphore_mem>>) src(%dma_wait3A_18 : memref<128x128xf32, #tpu.memory_space<hbm>>) dst(%arg11 : memref<128x128xf32, #tpu.memory_space<vmem>>)
    "tpu.region"() ({
      %run_scoped3A = tpu.sem_alloc : memref<!tpu.dma_semaphore, #tpu.memory_space<semaphore_mem>>
      %dma_start3A = arith.constant 0 : i32
      %dma_start3A_19 = tpu.memref_slice %arg6[%mul3A_2, %dma_start3A] : memref<4096x128xf32, #tpu.memory_space<hbm>> -> memref<128x128xf32, #tpu.memory_space<hbm>>
      %dma_start3A_20 = arith.constant 0 : i32
      %dma_start3A_21 = tpu.memref_slice %arg6[%mul3A_2, %dma_start3A_20] : memref<4096x128xf32, #tpu.memory_space<hbm>> -> memref<128x128xf32, #tpu.memory_space<hbm>>
      tpu.enqueue_dma source(%arg10 : memref<128x128xf32, #tpu.memory_space<vmem>>) target(%dma_start3A_21 : memref<128x128xf32, #tpu.memory_space<hbm>>) target_semaphore(%run_scoped3A : memref<!tpu.dma_semaphore, #tpu.memory_space<semaphore_mem>>)
      %dma_wait3A_22 = arith.constant 0 : i32
      %dma_wait3A_23 = tpu.memref_slice %arg6[%mul3A_2, %dma_wait3A_22] : memref<4096x128xf32, #tpu.memory_space<hbm>> -> memref<128x128xf32, #tpu.memory_space<hbm>>
      %dma_wait3A_24 = arith.constant 0 : i32
      %dma_wait3A_25 = tpu.memref_slice %arg6[%mul3A_2, %dma_wait3A_24] : memref<4096x128xf32, #tpu.memory_space<hbm>> -> memref<128x128xf32, #tpu.memory_space<hbm>>
      tpu.wait_dma2 semaphore(%run_scoped3A : memref<!tpu.dma_semaphore, #tpu.memory_space<semaphore_mem>>) src(%arg10 : memref<128x128xf32, #tpu.memory_space<vmem>>) dst(%dma_wait3A_25 : memref<128x128xf32, #tpu.memory_space<hbm>>)
      tpu.yield
    }) : () -> ()
    "tpu.region"() ({
      %run_scoped3A = tpu.sem_alloc : memref<!tpu.dma_semaphore, #tpu.memory_space<semaphore_mem>>
      %dma_start3A = arith.constant 0 : i32
      %dma_start3A_19 = tpu.memref_slice %arg7[%mul3A_2, %dma_start3A] : memref<4096x128xf32, #tpu.memory_space<hbm>> -> memref<128x128xf32, #tpu.memory_space<hbm>>
      %dma_start3A_20 = arith.constant 0 : i32
      %dma_start3A_21 = tpu.memref_slice %arg7[%mul3A_2, %dma_start3A_20] : memref<4096x128xf32, #tpu.memory_space<hbm>> -> memref<128x128xf32, #tpu.memory_space<hbm>>
      tpu.enqueue_dma source(%arg11 : memref<128x128xf32, #tpu.memory_space<vmem>>) target(%dma_start3A_21 : memref<128x128xf32, #tpu.memory_space<hbm>>) target_semaphore(%run_scoped3A : memref<!tpu.dma_semaphore, #tpu.memory_space<semaphore_mem>>)
      %dma_wait3A_22 = arith.constant 0 : i32
      %dma_wait3A_23 = tpu.memref_slice %arg7[%mul3A_2, %dma_wait3A_22] : memref<4096x128xf32, #tpu.memory_space<hbm>> -> memref<128x128xf32, #tpu.memory_space<hbm>>
      %dma_wait3A_24 = arith.constant 0 : i32
      %dma_wait3A_25 = tpu.memref_slice %arg7[%mul3A_2, %dma_wait3A_24] : memref<4096x128xf32, #tpu.memory_space<hbm>> -> memref<128x128xf32, #tpu.memory_space<hbm>>
      tpu.wait_dma2 semaphore(%run_scoped3A : memref<!tpu.dma_semaphore, #tpu.memory_space<semaphore_mem>>) src(%arg11 : memref<128x128xf32, #tpu.memory_space<vmem>>) dst(%dma_wait3A_25 : memref<128x128xf32, #tpu.memory_space<hbm>>)
      tpu.yield
    }) : () -> ()
    return
  }
}

module attributes {stable_mosaic.version = 14 : i64} {
  func.func @_matmul_body(%arg0: i32, %arg1: memref<256x64xf32, #tpu.memory_space<vmem>>, %arg2: memref<4096x64xf32, #tpu.memory_space<vmem>>, %arg3: memref<256x4096xf32, #tpu.memory_space<vmem>>) attributes {dimension_semantics = [#tpu.dimension_semantics<arbitrary>], iteration_bounds = array<i64: 16>, scalar_prefetch = 0 : i64, scratch_operands = 0 : i64, tpu.core_type = #tpu.core_type<tc>, window_params = [{transform_indices = @transform_0, window_bounds = array<i64: 256, 64>}, {pipeline_mode = #tpu.pipeline_mode<synchronous>, transform_indices = @transform_1, window_bounds = array<i64: 4096, 64>}, {transform_indices = @transform_2, window_bounds = array<i64: 256, 4096>}]} {
    %get3A = arith.constant 0 : index
    %get3A_0 = arith.constant 0 : index
    %get3A_1 = vector.load %arg1[%get3A, %get3A_0] : memref<256x64xf32, #tpu.memory_space<vmem>>, vector<256x64xf32>
    %get3A_2 = arith.constant 0 : index
    %get3A_3 = arith.constant 0 : index
    %get3A_4 = vector.load %arg2[%get3A_2, %get3A_3] : memref<4096x64xf32, #tpu.memory_space<vmem>>, vector<4096x64xf32>
    %dot_general3A = arith.constant dense<0.000000e+00> : vector<256x4096xf32>
    %dot_general3A_5 = tpu.matmul %get3A_1, %get3A_4, %dot_general3A {dimension_numbers = #tpu.dot_dimension_numbers<[1], [1], [0], [0], [0, 0, 1, 0], [], []>, transpose_lhs_hint = false} : vector<256x64xf32>, vector<4096x64xf32>, vector<256x4096xf32> -> vector<256x4096xf32>
    %swap3A = arith.constant 0 : index
    %swap3A_6 = arith.constant 0 : index
    %swap3A_7 = vector.load %arg3[%swap3A, %swap3A_6] : memref<256x4096xf32, #tpu.memory_space<vmem>>, vector<256x4096xf32>
    tpu.vector_store %arg3[%swap3A, %swap3A_6], %dot_general3A_5 {strides = array<i32>} : memref<256x4096xf32, #tpu.memory_space<vmem>>, vector<256x4096xf32>,
    return
  }
  func.func @transform_0(%arg0: i32) -> (i32, i32) {
    %c0_i32 = arith.constant 0 : i32
    %c0_i32_0 = arith.constant 0 : i32
    return %arg0, %c0_i32 : i32, i32
  }
  func.func @transform_1(%arg0: i32) -> (i32, i32) {
    %c0_i32 = arith.constant 0 : i32
    %c0_i32_0 = arith.constant 0 : i32
    %c0_i32_1 = arith.constant 0 : i32
    return %c0_i32, %c0_i32_0 : i32, i32
  }
  func.func @transform_2(%arg0: i32) -> (i32, i32) {
    %c0_i32 = arith.constant 0 : i32
    %c0_i32_0 = arith.constant 0 : i32
    return %arg0, %c0_i32 : i32, i32
  }
}

</mosaic_0001>

<sc_bundles>
// kernel: gather_offload_async_start.1
scs
__scs_entry_jumppad:
0x0: {  	(pc) =	sbr.rel $0x88, $3  }
0x1: {  	(tag) =	ssettag $0x0;
	lr =	simm.s32 $0x1  }
0x2: {  	[smem:$0x3F9D] =	sst lr;
	_ =	strace $0xD0000000  }
0x3: {  	_ = 	snop  }
0x4: {  	_ = 	snop  }
0x5: {  	_ = 	snop  }
0x6: {  	_ = 	snop  }
0x7: {  	_ = 	snop  }
__scs_overlays_trampoline_lowered:
0x8: {  	[smem:$0x3FAC] =	sst s0  }
0x9: {  	[smem:$0x3FAD] =	sst s1  }
0xa: {  	[smem:$0x3FAE] =	sst s2  }
0xb: {  	[smem:$0x3FAF] =	sst s3  }
0xc: {  	[smem:$0x3FB0] =	sst s4  }
0xd: {  	[smem:$0x3FB1] =	sst s5  }
0xe: {  	[smem:$0x3FB2] =	sst s6  }
0xf: {  	[smem:$0x3FB3] =	sst s7  }
0x10: {  	[smem:$0x3FB4] =	sst s8  }
0x11: {  	[smem:$0x3FB5] =	sst s9;
	s0 =	simm.s32 @!p0 $0x0  }
0x12: {  	s1 =	sld [smem:$0x3F9B];
	s0 =	simm.s32 @p0 $0x1  }
0x13: {  	[smem:$0x3FB6] =	sst s0;
	s0 =	simm.s32 @!p1 $0x0  }
0x14: {  	s2 =	sld [smem:$0x3F9A];
	s0 =	simm.s32 @p1 $0x1  }
0x15: {  	[smem:$0x3FB7] =	sst s0;
	s0 =	simm.s32 @!p2 $0x0  }
0x16: {  	s3 =	sld [smem:$0x3FDB];
	s0 =	simm.s32 @p2 $0x1  }
0x17: {  	s4 =	simm.s32 $0x1BF5;
	[smem:$0x3FB9] =	sst s0  }
0x18: {  	s0 =	sld [smem:$0x3F9C];
	_ =	swait.ge [sflag:s4], $0x0  }
0x19: {  	s7 =	sld [smem:$0x3F9D]  }
0x1a: {  	s8 =	sadd.s32 $0xFFFFE003, lr  }
0x1b: {  	s9 =	sadd.s32 $0xFFFFFEF7, lr;
	s5 =	simm.s32 $0xFFFFFFFF;
	p2 =	slt.u32 s8, $0xFFFFF086  }
0x1c: {  	p1 =	slt.u32 s9, $0xF7A;
	s5 =	simm.s32 @!p2 $0x0  }
0x1d: {  	s5 =	simm.s32 @p1 $0x1;
	p0 =	seq.s32 s7, s2  }
0x1e: {  	s7 =	smul.u32 @!p0 $0xF7A, s2;
	p2 =	seq.s32 @!p0 s5, $0x0  }
0x1f: {  	s9 =	smul.u32 $0xF7A, s1;
	s8 =	simm.s32 @!p0 $0x1BF5;
	p2 =	por !p2, p0  }
0x20: {  	[sflag:s8] =	ssyncset.s32 @!p0 $0xFFFFF086;
	s6 =	sadd.s32 @!p0 s3, s7;
	s7 =	simm.s32 @!p0 $0x108  }
0x21: {  	s3 =	sadd.s32 s3, s9;
	s6 =	sadd.s32 @!p0 $0x88, s6;
	s7 =	simm.s32 @p2 $0x1082  }
0x22: {  	[simem:s7], [sflag:s8] =	dma.local @!p0 [hbm:s6], $0xF7A  }
0x23: {  	s9 =	sor.u32 $0xD0000000, s2;
	s6 =	simm.s32 $0x108;
	_ =	swait.ge @!p0 [sflag:s8], $0x0  }
0x24: {  	s3 =	sadd.s32 $0x88, s3;
	s6 =	simm.s32 @!p1 $0x1082;
	[sflag:s4] =	ssyncset.s32 $0xFFFFF086  }
0x25: {  	[simem:s6], [sflag:s4] =	dma.local [hbm:s3], $0xF7A  }
0x26: {  	[smem:$0x3F9D] =	sst s1;
	(tag) =	ssettag s2;
	_ =	strace s9  }
0x27: {  	s1 =	sld [smem:$0x3FAD]  }
0x28: {  	s2 =	sld [smem:$0x3FAE]  }
0x29: {  	s4 =	sld [smem:$0x3FB0]  }
0x2a: {  	p0 =	seq.s32 s5, $0x0;
	s5 =	sld [smem:$0x3FB1]  }
0x2b: {  	s6 =	sld [smem:$0x3FB2]  }
0x2c: {  	s7 =	sld [smem:$0x3FB3]  }
0x2d: {  	s3 =	simm.s32 $0x108;
	s8 =	sld [smem:$0x3FB4]  }
0x2e: {  	s3 =	simm.s32 @!p0 $0x1082;
	s9 =	sld [smem:$0x3FB5]  }
0x2f: {  	lr =	sadd.s32 s0, s3;
	s0 =	sld [smem:$0x3FAC]  }
0x30: {  	s3 =	sld [smem:$0x3FAF]  }
0x31: {  	[smem:$0x3FB8] =	sst s10  }
0x32: {  	s10 =	sld [smem:$0x3FB6];
	_ =	sdelay $0x3  }
0x33: {  	p0 =	seq.s32 s10, $0x1;
	s10 =	sld [smem:$0x3FB8];
	_ =	sdelay $0x3  }
0x34: {  	[smem:$0x3FB8] =	sst s10  }
0x35: {  	s10 =	sld [smem:$0x3FB7];
	_ =	sdelay $0x3  }
0x36: {  	p1 =	seq.s32 s10, $0x1;
	s10 =	sld [smem:$0x3FB8];
	_ =	sdelay $0x3  }
0x37: {  	[smem:$0x3FB8] =	sst s10  }
0x38: {  	s10 =	sld [smem:$0x3FB9]  }
0x39: {  	_ = 	snop;
	(pc) =	sbr.ind lr, $3  }
0x3a: {  	_ = 	snop  }
0x3b: {  	_ = 	snop  }
0x3c: {  	p2 =	seq.s32 s10, $0x1;
	s10 =	sld [smem:$0x3FB8]  }
0x3d: {  	_ =	shalt  }
0x3e: {  	_ =	shalt  }
0x3f: {  	_ =	shalt  }
0x40: {  	_ =	shalt  }
0x41: {  	_ =	shalt  }
0x42: {  	_ =	shalt  }
0x43: {  	_ =	shalt  }
0x44: {  	_ =	shalt  }
0x45: {  	_ =	shalt  }
0x46: {  	_ =	shalt  }
0x47: {  	_ =	shalt  }
0x48: {  	_ =	shalt  }
0x49: {  	_ =	shalt  }
0x4a: {  	_ =	shalt  }
0x4b: {  	_ =	shalt  }
0x4c: {  	_ =	shalt  }
0x4d: {  	_ =	shalt  }
0x4e: {  	_ =	shalt  }
0x4f: {  	_ =	shalt  }
0x50: {  	_ =	shalt  }
0x51: {  	_ =	shalt  }
0x52: {  	_ =	shalt  }
0x53: {  	_ =	shalt  }
0x54: {  	_ =	shalt  }
0x55: {  	_ =	shalt  }
0x56: {  	_ =	shalt  }
0x57: {  	_ =	shalt  }
0x58: {  	_ =	shalt  }
0x59: {  	_ =	shalt  }
0x5a: {  	_ =	shalt  }
0x5b: {  	_ =	shalt  }
0x5c: {  	_ =	shalt  }
0x5d: {  	_ =	shalt  }
0x5e: {  	_ =	shalt  }
0x5f: {  	_ =	shalt  }
0x60: {  	_ =	shalt  }
0x61: {  	_ =	shalt  }
0x62: {  	_ =	shalt  }
0x63: {  	_ =	shalt  }
0x64: {  	_ =	shalt  }
0x65: {  	_ =	shalt  }
0x66: {  	_ =	shalt  }
0x67: {  	_ =	shalt  }
0x68: {  	_ =	shalt  }
0x69: {  	_ =	shalt  }
0x6a: {  	_ =	shalt  }
0x6b: {  	_ =	shalt  }
0x6c: {  	_ =	shalt  }
0x6d: {  	_ =	shalt  }
0x6e: {  	_ =	shalt  }
0x6f: {  	_ =	shalt  }
0x70: {  	_ =	shalt  }
0x71: {  	_ =	shalt  }
0x72: {  	_ =	shalt  }
0x73: {  	_ =	shalt  }
0x74: {  	_ =	shalt  }
0x75: {  	_ =	shalt  }
0x76: {  	_ =	shalt  }
0x77: {  	_ =	shalt  }
0x78: {  	_ =	shalt  }
0x79: {  	_ =	shalt  }
0x7a: {  	_ =	shalt  }
0x7b: {  	_ =	shalt  }
0x7c: {  	_ =	shalt  }
0x7d: {  	_ =	shalt  }
0x7e: {  	_ =	shalt  }
0x7f: {  	_ =	shalt  }
0x80: {  	_ =	shalt  }
0x81: {  	_ =	shalt  }
0x82: {  	_ =	shalt  }
0x83: {  	_ =	shalt  }
0x84: {  	_ =	shalt  }
0x85: {  	_ =	shalt  }
0x86: {  	_ =	shalt  }
0x87: {  	_ =	shalt  }
.Lfunc_end0:
.L_simem_size_0:
called_computation.1_lowered:
.L_overlay_start_0:
0x88: {  	s2 =	sld [smem:$0x3FD9]  }
0x89: {  	s3 =	sld [smem:$0x3FFE];
	_ =	sdelay $0x1  }
0x8a: {  	s1 =	srdreg.scid  }
0x8b: {  	s0 =	sand.u32 $0x1, s1  }
0x8c: {  	s17 =	sshll.u32 s0, $0xA;
	s2 =	sadd.s32 s3, s2  }
0x8d: {  	s2 =	sadd.s32 s2, s17  }
0x8e: {  	[smem:$0x3FC4] =	sst s2  }
0x8f: {  	_ = 	snop  }
0x90: {  	(tm) =	ssettm $0x1  }
0x91: {  	s18 =	sld [smem:$0x3FFB];
	_ =	sdelay $0x3  }
0x92: {  	_ =	strace s18  }
0x93: {  	s2 =	sld [smem:$0x3FFC];
	_ =	sdelay $0x3  }
0x94: {  	_ =	strace s2  }
0x95: {  	s2 =	sld [smem:$0x3FFD];
	_ =	sdelay $0x3  }
0x96: {  	_ =	strace s2  }
0x97: {  	_ =	strace $0x8FFFFFFF  }
0x98: {  	s19 =	sld [smem:$0x3FDB];
	_ =	sdelay $0x1  }
0x99: {  	s20 =	simm.s32 $_scs_section_size  }
0x9a: {  	s4 =	simm.s32 $_size__tile_overlayer_lowered;
	s5 =	simm.s32 $_tile_overlayer_lowered  }
0x9b: {  	s6 =	simm.s32 $0x1BFF;
	s21 =	sshll.u32 s5, $0x1;
	s3 =	sadd.s32 s20, s19  }
0x9c: {  	s22 =	simm.s32 $0x0;
	s4 =	sshll.u32 s4, $0x1;
	s5 =	sadd.s32 s21, s3  }
0x9d: {  	[timem:s22], [sflag:s6] =	dma.local [hbm:s5], s4  }
0x9e: {  	_ =	swait.ge [sflag:s6], s4  }
0x9f: {  	s4 =	ssub.s32 $0x0, s4;
	[sflag:s6] =	ssyncset.done $0x0  }
0xa0: {  	[sflag:s6] =	ssyncadd.s32 s4;
	_ =	sdelay $0x1  }
0xa1: {  	s23 =	simm.s32 $0x1B8B  }
0xa2: {  	_ =	swait.ge [sflag:s23], $0x1  }
0xa3: {  	[sflag:s23] =	ssyncset.done $0x0  }
0xa4: {  	[sflag:s23] =	ssyncadd.s32 $0xFFFFFFFF  }
0xa5: {  	s4 =	sld [smem:$0x0]  }
0xa6: {  	s5 =	sand.u32 $0xFFFFFFFE, s1  }
0xa7: {  	p0 =	sne.s32 s1, s5  }
0xa8: {  	s5 =	sshll.u32 @p0 s5, $0xE  }
0xa9: {  	s5 =	sadd.s32 @p0 $0x11B8D, s5;
	s6 =	sshll.u32 @p0 s4, $0x11  }
0xaa: {  	s5 =	sor.u32 @p0 s6, s5  }
0xab: {  	[sflag:s5] =	ssyncadd.remote.s32 @p0 $0x1;
	_ =	sdelay $0x1  }
0xac: {  	s5 =	simm.s32 @p0 $0x1B8D  }
0xad: {  	_ =	swait.eq @p0 [sflag:s5], $0x1  }
0xae: {  	[sflag:s5] =	ssyncadd.s32 @p0 $0xFFFFFFFF  }
0xaf: {  	s6 =	sshll.u32 @!p0 s1, $0xE  }
0xb0: {  	s6 =	sor.u32 @!p0 $0x4000, s6;
	s5 =	simm.s32 @!p0 $0x1B8D  }
0xb1: {  	s4 =	sshll.u32 @!p0 s4, $0x11;
	s6 =	sadd.s32 @!p0 $0x11B8D, s6;
	_ =	swait.eq @!p0 [sflag:s5], $0x1  }
0xb2: {  	s4 =	sor.u32 @!p0 s4, s6;
	[sflag:s5] =	ssyncadd.s32 @!p0 $0xFFFFFFFF  }
0xb3: {  	s25 =	simm.s32 $0x1B8E;
	s24 =	sld [smem:$0x3FFE];
	[sflag:s4] =	ssyncadd.remote.s32 @!p0 $0x1  }
0xb4: {  	s26 =	simm.s32 $execute0_lowered;
	[smem:$0x3FD2] =	sst s25  }
0xb5: {  	s5 =	sshll.u32 s26, $0x1;
	_ =	strace $0x8000004C;
	[dreg:$0x1] =	wrdreg $0xFFFFFFFF  }
0xb6: {  	s28 =	simm.s32 $_size_execute0_lowered;
	s3 =	sadd.s32 s3, s5;
	[dreg:$0x0] =	wrdreg $0x0  }
0xb7: {  	s5 =	sshll.u32 s28, $0x1;
	[dreg:$0x2] =	wrdreg s3  }
0xb8: {  	[dreg:$0x3] =	wrdreg s5  }
0xb9: {  	[dreg:$0x4] =	wrdreg $0xC0  }
0xba: {  	_ =	task [dreg:s22], $0x5FFFF  }
0xbb: {  	[dreg:$0x1] =	wrdreg $0xFFFFFFFF  }
0xbc: {  	[dreg:$0x0] =	wrdreg $0x60  }
0xbd: {  	[dreg:$0x2] =	wrdreg s24  }
0xbe: {  	[dreg:$0x3] =	wrdreg $0xA  }
0xbf: {  	_ =	task.clear_ibuf [dreg:s22], $0x4FFFF;
	_ =	strace $0x9000004C  }
0xc0: {  	s29 =	simm.s32 $0xA;
	_ =	strace $0x8000004E  }
0xc1: {  	_ =	swait.ge [sflag:s29], $0x1  }
0xc2: {  	[sflag:s29] =	ssyncadd.s32 $0xFFFFFFFF  }
0xc3: {  	_ =	strace $0x9000004E  }
0xc4: {  	_ =	sfence  }
0xc5: {  	s30 =	sld [smem:$0x0];
	_ =	sdelay $0x2  }
0xc6: {  	s31 =	sshll.u32 s1, $0xD;
	s1 =	sshrl.u32 s1, $0x2  }
0xc7: {  	s4 =	sand.u32 $0x4000, s31;
	s1 =	sadd.s32 s1, s30  }
0xc8: {  	s0 =	sor.u32 s4, s0;
	s1 =	sshll.u32 s1, $0x11  }
0xc9: {  	s0 =	sor.u32 s1, s0  }
0xca: {  	s0 =	sadd.s32 $0x8F2B, s0  }
0xcb: {  	[sflag:s0] =	ssyncadd.remote.s32 $0x1  }
0xcc: {  	_ =	sfence.sel $0xFFFF  }
0xcd: {  	[dreg:$0x0] =	wrdreg $0xFFFFFFFF;
	(pc) =	sbr.abs _section_cstart, $3  }
0xce: {  	[dreg:$0x1] =	wrdreg $0xFFFFFFFF  }
0xcf: {  	_ =	task.clear_ibuf [dreg:s22], $0x2FFFF;
	_ =	strace $0x9FFFFFFF  }
0xd0: {  	(tm) =	ssettm $0x7FFFFFFF  }
0xd1: {  	_ =	shalt  }
tec
execute0_lowered:
.L_overlay_start_1:
0x0: {  	(tag) =	ssettag $0x1  }
0x1: {  	s7 =	rddreg [dreg:$0x0]  }
0x2: {  	s0 =	rddreg [dreg:$0x1];
	_ =	strace $0x8000004D  }
0x3: {  	s1 =	srdreg.scid;
	s4 =	simm.s32 $0x1;
	s9 =	simm.s32 $0x3  }
0x4: {  	s12 =	simm.s32 $0x0;
	s10 =	simm.s32 $0x0;
	s5 =	sshll.u32 s1, $0x4  }
.Ltmp0:
0x5: {  	s1 =	stileid.u32;
	s5 =	sand.u32 $0x10, s5;
	(pc) =	sbr.rel .LBB2_1-.Ltmp0, $4  }
0x6: {  	s2 =	sadd.s32 $0x22000, s7;
	s3 =	sadd.s32 $0x1A00, s7;
	s6 =	sor.u32 s1, s5  }
0x7: {  	[sflag:s4] =	ssyncpa.u1 $0x0;
	s5 =	simm.s32 $0x2;
	s6 =	sshll.u32 s6, $0x7  }
0x8: {  	s7 =	sadd.s32 $0x1C00, s7;
	[sflag:s5] =	ssyncpa.u1 $0x0;
	s8 =	sadd.s32 $0x80, s6  }
0x9: {  	vm0 =	vmmov $0xff;
	vm1 =	vcmask $0x3F20;
	[sflag:s9] =	ssyncpa.u1 $0x0;
	s9 =	simm.s32 $0x80;
	s11 =	smov.u32 s6  }
.LBB2_9:
0xa: {  	p0 =	seq.s32 s10, $0x2  }
.Ltmp1:
0xb: {  	_ = 	snop;
	(pc) =	sbr.rel @p0 .LBB2_11-.Ltmp1, $1  }
0xc: {  	_ =	sdelay $0x3  }
.LBB2_10:
0xd: {  	s12 =	sadd.s32 $0x80, s11  }
0xe: {  	s13 =	smov.u32 s6;
	p0 =	slt.s32 s12, s8  }
0xf: {  	s13 =	smov.u32 @p0 s12  }
0x10: {  	s10 =	sadd.s32 $0x1, s10;
	s12 =	smov.u32 s11;
	s11 =	smov.u32 s13  }
.LBB2_1:
0x11: {  	p0 =	sne.s32 s10, $0x0  }
.Ltmp2:
0x12: {  	_ = 	snop;
	(pc) =	sbr.rel @!p0 .LBB2_2-.Ltmp2, $1  }
0x13: {  	_ =	sdelay $0x3  }
0x14: {  	s13 =	sand.u32 $0x1, s10  }
0x15: {  	p0 =	seq.s32 s13, $0x0  }
.Ltmp3:
0x16: {  	_ = 	snop;
	(pc) =	sbr.rel @p0 .LBB2_9-.Ltmp3, $1  }
0x17: {  	_ =	sdelay $0x3  }
0x18: {  	_ =	swait.ge [sflag:s5], $0x80  }
0x19: {  	[sflag:s5] =	ssyncset.done $0x0  }
0x1a: {  	s13 =	simm.s32 $0x0;
	[sflag:s5] =	ssyncadd.s32 $0xFFFFFF80  }
0x1b: {  	v0 =	vld.msk [tilespmem:s13+$0x80 ss:$0x1], $0xffff;
	_ =	sdelay $0x4  }
0x1c: {  	v1 =	vshrl.u32 v0, $0xC  }
0x1d: {  	vm2 =	veq.s32 v0, $0x80000000;
	v0 =	vshll.u32 v0, $0x8;
	v1 =	vand.u32 $0x1, v1  }
0x1e: {  	v0 =	vand.u32 $0xFFF00, v0;
	v1 =	vsel vm2, $0xFFFFFFFF, v1  }
0x1f: {  	v0 =	vsel vm2, $0xFFFFFF00, v0;
	v2 =	vand.u32 $0xFFFFFF00, v1;
	v1 =	vshll.u32 v1, $0x7  }
0x20: {  	v0 =	vadd.s32 v0, v2;
	v1 =	vand.u32 $0x80, v1  }
0x21: {  	v0 =	vor.u32 v1, v0  }
0x22: {  	v0 =	vshrl.u32 v0, $0x3;
	_ =	sdelay $0x3  }
0x23: {  	s13 =	simm.s32 $0x4100  }
0x24: {  	[tilespmem:s13], [sflag:$0x1] =	stream.indirect_vreg.gather [hbm:s2], $0x80, v0, vm0, $0x38;
	[tilespmem:$0x8100] =	vst v63  }
0x25: {  	s14 =	simm.s32 $0x4500;
	s31 =	simm.s32 $0x10  }
0x26: {  	[tilespmem:s14], [sflag:$0x1] =	stream.indirect_vreg.gather [hbm:s2], $0x80, v0, vm1, $0x38;
	[tilespmem:$0x8100] =	vst v63  }
0x27: {  	s14 =	simm.s32 $0x80;
	v0 =	vld.msk [tilespmem:s31+$0x80 ss:$0x1], $0xffff  }
.LBB2_5:
0x28: {  	p0 =	sne.s32 s14, $0x1C0;
	_ =	sdelay $0x4  }
0x29: {  	v1 =	vshrl.u32 v0, $0xC  }
0x2a: {  	vm2 =	veq.s32 v0, $0x80000000;
	v0 =	vshll.u32 v0, $0x8;
	v1 =	vand.u32 $0x1, v1  }
0x2b: {  	v0 =	vand.u32 $0xFFF00, v0;
	v1 =	vsel vm2, $0xFFFFFFFF, v1  }
0x2c: {  	v0 =	vsel vm2, $0xFFFFFF00, v0;
	v2 =	vand.u32 $0xFFFFFF00, v1;
	v1 =	vshll.u32 v1, $0x7  }
0x2d: {  	v0 =	vadd.s32 v0, v2;
	v1 =	vand.u32 $0x80, v1  }
0x2e: {  	v0 =	vor.u32 v1, v0  }
0x2f: {  	v0 =	vshrl.u32 v0, $0x3;
	_ =	sdelay $0x3  }
.Ltmp4:
0x30: {  	s13 =	sadd.s32 $0x800, s13;
	(pc) =	sbr.rel @p0 .LBB2_5-.Ltmp4, $4  }
0x31: {  	[tilespmem:s13], [sflag:$0x1] =	stream.indirect_vreg.gather [hbm:s2], $0x80, v0, vm0, $0x38;
	[tilespmem:$0x8100] =	vst v63  }
0x32: {  	s15 =	sshra.s32 s14, $0x2;
	s16 =	sadd.s32 $0x400, s13  }
0x33: {  	[tilespmem:s16], [sflag:$0x1] =	stream.indirect_vreg.gather [hbm:s2], $0x80, v0, vm1, $0x38;
	[tilespmem:$0x8100] =	vst v63  }
0x34: {  	s14 =	sadd.s32 $0x40, s14;
	v0 =	vld.msk [tilespmem:s15+$0x80 ss:$0x1], $0xffff  }
0x35: {  	_ =	sdelay $0x3  }
0x36: {  	v1 =	vshrl.u32 v0, $0xC  }
0x37: {  	vm2 =	veq.s32 v0, $0x80000000;
	v63 =	vshll.u32 v0, $0x8;
	v1 =	vand.u32 $0x1, v1  }
0x38: {  	v0 =	vand.u32 $0xFFF00, v63;
	v1 =	vsel vm2, $0xFFFFFFFF, v1  }
0x39: {  	v0 =	vsel vm2, $0xFFFFFF00, v0;
	v2 =	vand.u32 $0xFFFFFF00, v1;
	v1 =	vshll.u32 v1, $0x7  }
0x3a: {  	v0 =	vadd.s32 v0, v2;
	v1 =	vand.u32 $0x80, v1  }
0x3b: {  	v0 =	vor.u32 v1, v0  }
0x3c: {  	v0 =	vshrl.u32 v0, $0x3;
	_ =	sdelay $0x3  }
0x3d: {  	s13 =	sadd.s32 $0x800, s13  }
0x3e: {  	[tilespmem:s13], [sflag:$0x1] =	stream.indirect_vreg.gather [hbm:s2], $0x80, v0, vm0, $0x38;
	[tilespmem:$0x8100] =	vst v63  }
0x3f: {  	s13 =	sadd.s32 $0x400, s13  }
0x40: {  	[tilespmem:s13], [sflag:$0x1] =	stream.indirect_vreg.gather [hbm:s2], $0x80, v0, vm1, $0x38;
	[tilespmem:$0x8100] =	vst v63  }
0x41: {  	s12 =	sshll.u32 s12, $0x4;
	s14 =	simm.s32 $0x80;
	_ =	swait.ge [sflag:s4], $0x4000  }
0x42: {  	s15 =	simm.s32 $0x4500;
	s12 =	sadd.s32 s12, s7;
	[sflag:s4] =	ssyncset.done $0x0  }
0x43: {  	s16 =	sadd.s32 $0x0, s12;
	s13 =	simm.s32 $0x4100;
	[sflag:s4] =	ssyncadd.s32 $0xFFFFC000  }
.LBB2_7:
0x44: {  	[hbm:s16] =	stream.linear.scatter [tilespmem:s13], [sflag:$0x3], $0x400, $0x38;
	[tilespmem:$0x8100] =	vst v63  }
0x45: {  	s16 =	smov.u32 s14;
	s13 =	smov.u32 s15;
	p0 =	sne.s32 s14, $0x780  }
.Ltmp5:
0x46: {  	s14 =	sadd.s32 $0x80, s14;
	(pc) =	sbr.rel @p0 .LBB2_7-.Ltmp5, $2  }
0x47: {  	_ =	sdelay $0x2  }
0x48: {  	s15 =	sadd.s32 $0x400, s15;
	s16 =	sadd.s32 s16, s12  }
.Ltmp6:
0x49: {  	(pc) =	sbr.rel .LBB2_9-.Ltmp6, $2  }
0x4a: {  	_ =	sdelay $0x2  }
0x4b: {  	[hbm:s16] =	stream.linear.scatter [tilespmem:s13], [sflag:$0x3], $0x400, $0x38;
	[tilespmem:$0x8100] =	vst v63  }
.LBB2_2:
.Ltmp7:
0x4c: {  	(pc) =	sbr.rel .LBB2_10-.Ltmp7, $4  }
0x4d: {  	_ = 	snop  }
0x4e: {  	s12 =	sshrl.u32 s11, $0x3  }
0x4f: {  	s13 =	sand.u32 $0x7, s11;
	s12 =	sadd.s32 s3, s12  }
0x50: {  	[tilespmem:s9], [sflag:$0x2] =	stream.linear.gather [hbm4b:s12+s13], $0x80, $0x38;
	[tilespmem:$0x8100] =	vst v63  }
.LBB2_11:
0x51: {  	s2 =	simm.s32 $0x3  }
0x52: {  	_ =	swait.ge [sflag:s2], $0x4000  }
0x53: {  	[sflag:s2] =	ssyncset.done $0x0  }
0x54: {  	[sflag:s2] =	ssyncadd.s32 $0xFFFFC000  }
0x55: {  	_ =	sfence.sel $0x180000  }
0x56: {  	s3 =	simm.s32 $0x2;
	[bflag:$0x0] =	sbarrier.arrive $0xFFFF  }
0x57: {  	[sflag:s3] =	ssyncpa.u1 $0x1  }
0x58: {  	s31 =	simm.s32 $0x1;
	[sflag:s2] =	ssyncpa.u1 $0x1  }
0x59: {  	[sflag:s31] =	ssyncpa.u1 $0x1  }
0x5a: {  	p0 =	sne.s32 s1, $0x0;
	_ =	strace $0x9000004D  }
0x5b: {  	s0 =	sadd.s32 @!p0 $0x100000, s0;
	[bflag:$0x2] =	sbarrier.arrive $0xFFFF  }
0x5c: {  	[sflag:s0] =	ssyncadd.tile.s32 @!p0 $0x1;
	_ =	shalt  }
.Lfunc_end2:
_tile_overlayer_lowered:
.L_overlay_start_2:
0x5d: {  	(tag) =	ssettag $0x2  }
0x5e: {  	s0 =	rddreg [dreg:$0x0];
	s2 =	stileid.u32  }
0x5f: {  	s1 =	rddreg [dreg:$0x1];
	p0 =	sne.s32 s2, $0x0  }
0x60: {  	s3 =	rddreg [dreg:$0x2];
	[bflag:$0x3] =	sbarrier.arrive $0xFFFF;
	s2 =	simm.s32 @!p0 $0x1C01  }
0x61: {  	[timem:s3], [sflag:s2] =	dma.local @!p0 [hbm:s0], s1  }
0x62: {  	s0 =	simm.s32 @!p0 $0x1  }
0x63: {  	_ =	swait.ge @!p0 [sflag:s0], s1  }
0x64: {  	s1 =	ssub.s32 @!p0 $0x0, s1;
	[sflag:s0] =	ssyncset.done @!p0 $0x0  }
0x65: {  	[sflag:s0] =	ssyncadd.s32 @!p0 s1  }
0x66: {  	[bflag:$0x3] =	sbarrier.arrive $0xFFFF  }
0x67: {  	_ =	shalt  }

// kernel: gather_offload_async_start
scs
__scs_entry_jumppad:
0x0: {  	(pc) =	sbr.rel $0x88, $3  }
0x1: {  	(tag) =	ssettag $0x0;
	lr =	simm.s32 $0x1  }
0x2: {  	[smem:$0x3F9D] =	sst lr;
	_ =	strace $0xD0000000  }
0x3: {  	_ = 	snop  }
0x4: {  	_ = 	snop  }
0x5: {  	_ = 	snop  }
0x6: {  	_ = 	snop  }
0x7: {  	_ = 	snop  }
__scs_overlays_trampoline_lowered:
0x8: {  	[smem:$0x3FAC] =	sst s0  }
0x9: {  	[smem:$0x3FAD] =	sst s1  }
0xa: {  	[smem:$0x3FAE] =	sst s2  }
0xb: {  	[smem:$0x3FAF] =	sst s3  }
0xc: {  	[smem:$0x3FB0] =	sst s4  }
0xd: {  	[smem:$0x3FB1] =	sst s5  }
0xe: {  	[smem:$0x3FB2] =	sst s6  }
0xf: {  	[smem:$0x3FB3] =	sst s7  }
0x10: {  	[smem:$0x3FB4] =	sst s8  }
0x11: {  	[smem:$0x3FB5] =	sst s9;
	s0 =	simm.s32 @!p0 $0x0  }
0x12: {  	s1 =	sld [smem:$0x3F9B];
	s0 =	simm.s32 @p0 $0x1  }
0x13: {  	[smem:$0x3FB6] =	sst s0;
	s0 =	simm.s32 @!p1 $0x0  }
0x14: {  	s2 =	sld [smem:$0x3F9A];
	s0 =	simm.s32 @p1 $0x1  }
0x15: {  	[smem:$0x3FB7] =	sst s0;
	s0 =	simm.s32 @!p2 $0x0  }
0x16: {  	s3 =	sld [smem:$0x3FDB];
	s0 =	simm.s32 @p2 $0x1  }
0x17: {  	s4 =	simm.s32 $0x1BF5;
	[smem:$0x3FB9] =	sst s0  }
0x18: {  	s0 =	sld [smem:$0x3F9C];
	_ =	swait.ge [sflag:s4], $0x0  }
0x19: {  	s7 =	sld [smem:$0x3F9D]  }
0x1a: {  	s8 =	sadd.s32 $0xFFFFE003, lr  }
0x1b: {  	s9 =	sadd.s32 $0xFFFFFEF7, lr;
	s5 =	simm.s32 $0xFFFFFFFF;
	p2 =	slt.u32 s8, $0xFFFFF086  }
0x1c: {  	p1 =	slt.u32 s9, $0xF7A;
	s5 =	simm.s32 @!p2 $0x0  }
0x1d: {  	s5 =	simm.s32 @p1 $0x1;
	p0 =	seq.s32 s7, s2  }
0x1e: {  	s7 =	smul.u32 @!p0 $0xF7A, s2;
	p2 =	seq.s32 @!p0 s5, $0x0  }
0x1f: {  	s9 =	smul.u32 $0xF7A, s1;
	s8 =	simm.s32 @!p0 $0x1BF5;
	p2 =	por !p2, p0  }
0x20: {  	[sflag:s8] =	ssyncset.s32 @!p0 $0xFFFFF086;
	s6 =	sadd.s32 @!p0 s3, s7;
	s7 =	simm.s32 @!p0 $0x108  }
0x21: {  	s3 =	sadd.s32 s3, s9;
	s6 =	sadd.s32 @!p0 $0x88, s6;
	s7 =	simm.s32 @p2 $0x1082  }
0x22: {  	[simem:s7], [sflag:s8] =	dma.local @!p0 [hbm:s6], $0xF7A  }
0x23: {  	s9 =	sor.u32 $0xD0000000, s2;
	s6 =	simm.s32 $0x108;
	_ =	swait.ge @!p0 [sflag:s8], $0x0  }
0x24: {  	s3 =	sadd.s32 $0x88, s3;
	s6 =	simm.s32 @!p1 $0x1082;
	[sflag:s4] =	ssyncset.s32 $0xFFFFF086  }
0x25: {  	[simem:s6], [sflag:s4] =	dma.local [hbm:s3], $0xF7A  }
0x26: {  	[smem:$0x3F9D] =	sst s1;
	(tag) =	ssettag s2;
	_ =	strace s9  }
0x27: {  	s1 =	sld [smem:$0x3FAD]  }
0x28: {  	s2 =	sld [smem:$0x3FAE]  }
0x29: {  	s4 =	sld [smem:$0x3FB0]  }
0x2a: {  	p0 =	seq.s32 s5, $0x0;
	s5 =	sld [smem:$0x3FB1]  }
0x2b: {  	s6 =	sld [smem:$0x3FB2]  }
0x2c: {  	s7 =	sld [smem:$0x3FB3]  }
0x2d: {  	s3 =	simm.s32 $0x108;
	s8 =	sld [smem:$0x3FB4]  }
0x2e: {  	s3 =	simm.s32 @!p0 $0x1082;
	s9 =	sld [smem:$0x3FB5]  }
0x2f: {  	lr =	sadd.s32 s0, s3;
	s0 =	sld [smem:$0x3FAC]  }
0x30: {  	s3 =	sld [smem:$0x3FAF]  }
0x31: {  	[smem:$0x3FB8] =	sst s10  }
0x32: {  	s10 =	sld [smem:$0x3FB6];
	_ =	sdelay $0x3  }
0x33: {  	p0 =	seq.s32 s10, $0x1;
	s10 =	sld [smem:$0x3FB8];
	_ =	sdelay $0x3  }
0x34: {  	[smem:$0x3FB8] =	sst s10  }
0x35: {  	s10 =	sld [smem:$0x3FB7];
	_ =	sdelay $0x3  }
0x36: {  	p1 =	seq.s32 s10, $0x1;
	s10 =	sld [smem:$0x3FB8];
	_ =	sdelay $0x3  }
0x37: {  	[smem:$0x3FB8] =	sst s10  }
0x38: {  	s10 =	sld [smem:$0x3FB9]  }
0x39: {  	_ = 	snop;
	(pc) =	sbr.ind lr, $3  }
0x3a: {  	_ = 	snop  }
0x3b: {  	_ = 	snop  }
0x3c: {  	p2 =	seq.s32 s10, $0x1;
	s10 =	sld [smem:$0x3FB8]  }
0x3d: {  	_ =	shalt  }
0x3e: {  	_ =	shalt  }
0x3f: {  	_ =	shalt  }
0x40: {  	_ =	shalt  }
0x41: {  	_ =	shalt  }
0x42: {  	_ =	shalt  }
0x43: {  	_ =	shalt  }
0x44: {  	_ =	shalt  }
0x45: {  	_ =	shalt  }
0x46: {  	_ =	shalt  }
0x47: {  	_ =	shalt  }
0x48: {  	_ =	shalt  }
0x49: {  	_ =	shalt  }
0x4a: {  	_ =	shalt  }
0x4b: {  	_ =	shalt  }
0x4c: {  	_ =	shalt  }
0x4d: {  	_ =	shalt  }
0x4e: {  	_ =	shalt  }
0x4f: {  	_ =	shalt  }
0x50: {  	_ =	shalt  }
0x51: {  	_ =	shalt  }
0x52: {  	_ =	shalt  }
0x53: {  	_ =	shalt  }
0x54: {  	_ =	shalt  }
0x55: {  	_ =	shalt  }
0x56: {  	_ =	shalt  }
0x57: {  	_ =	shalt  }
0x58: {  	_ =	shalt  }
0x59: {  	_ =	shalt  }
0x5a: {  	_ =	shalt  }
0x5b: {  	_ =	shalt  }
0x5c: {  	_ =	shalt  }
0x5d: {  	_ =	shalt  }
0x5e: {  	_ =	shalt  }
0x5f: {  	_ =	shalt  }
0x60: {  	_ =	shalt  }
0x61: {  	_ =	shalt  }
0x62: {  	_ =	shalt  }
0x63: {  	_ =	shalt  }
0x64: {  	_ =	shalt  }
0x65: {  	_ =	shalt  }
0x66: {  	_ =	shalt  }
0x67: {  	_ =	shalt  }
0x68: {  	_ =	shalt  }
0x69: {  	_ =	shalt  }
0x6a: {  	_ =	shalt  }
0x6b: {  	_ =	shalt  }
0x6c: {  	_ =	shalt  }
0x6d: {  	_ =	shalt  }
0x6e: {  	_ =	shalt  }
0x6f: {  	_ =	shalt  }
0x70: {  	_ =	shalt  }
0x71: {  	_ =	shalt  }
0x72: {  	_ =	shalt  }
0x73: {  	_ =	shalt  }
0x74: {  	_ =	shalt  }
0x75: {  	_ =	shalt  }
0x76: {  	_ =	shalt  }
0x77: {  	_ =	shalt  }
0x78: {  	_ =	shalt  }
0x79: {  	_ =	shalt  }
0x7a: {  	_ =	shalt  }
0x7b: {  	_ =	shalt  }
0x7c: {  	_ =	shalt  }
0x7d: {  	_ =	shalt  }
0x7e: {  	_ =	shalt  }
0x7f: {  	_ =	shalt  }
0x80: {  	_ =	shalt  }
0x81: {  	_ =	shalt  }
0x82: {  	_ =	shalt  }
0x83: {  	_ =	shalt  }
0x84: {  	_ =	shalt  }
0x85: {  	_ =	shalt  }
0x86: {  	_ =	shalt  }
0x87: {  	_ =	shalt  }
.Lfunc_end0:
.L_simem_size_0:
called_computation_lowered:
.L_overlay_start_0:
0x88: {  	s2 =	sld [smem:$0x3FD9]  }
0x89: {  	s3 =	sld [smem:$0x3FFE];
	_ =	sdelay $0x1  }
0x8a: {  	s1 =	srdreg.scid  }
0x8b: {  	s0 =	sand.u32 $0x1, s1  }
0x8c: {  	s17 =	sshll.u32 s0, $0xA;
	s2 =	sadd.s32 s3, s2  }
0x8d: {  	s2 =	sadd.s32 s2, s17  }
0x8e: {  	[smem:$0x3FC4] =	sst s2  }
0x8f: {  	_ = 	snop  }
0x90: {  	s2 =	sld [smem:$0x3FD0];
	(tm) =	ssettm $0x1  }
0x91: {  	s18 =	sld [smem:$0x3FFB];
	_ =	sdelay $0x3  }
0x92: {  	_ =	strace s18  }
0x93: {  	s3 =	sld [smem:$0x3FFC];
	_ =	sdelay $0x3  }
0x94: {  	_ =	strace s3  }
0x95: {  	s3 =	sld [smem:$0x3FFD];
	_ =	sdelay $0x3  }
0x96: {  	_ =	strace s3  }
0x97: {  	_ =	strace $0x8FFFFFFF  }
0x98: {  	s19 =	sld [smem:$0x3FDB];
	_ =	sdelay $0x1  }
0x99: {  	s4 =	simm.s32 $_scs_section_size  }
0x9a: {  	s5 =	simm.s32 $_size__tile_overlayer_lowered;
	s6 =	simm.s32 $_tile_overlayer_lowered  }
0x9b: {  	s22 =	simm.s32 $0x1BFF;
	s21 =	sshll.u32 s6, $0x1;
	s3 =	sadd.s32 s4, s19  }
0x9c: {  	s7 =	simm.s32 $0x0;
	s20 =	sshll.u32 s5, $0x1;
	s5 =	sadd.s32 s21, s3  }
0x9d: {  	[timem:s7], [sflag:s22] =	dma.local [hbm:s5], s20  }
0x9e: {  	_ =	swait.ge [sflag:s22], s20  }
0x9f: {  	s4 =	ssub.s32 $0x0, s20;
	[sflag:s22] =	ssyncset.done $0x0  }
0xa0: {  	[sflag:s22] =	ssyncadd.s32 s4;
	_ =	sdelay $0x1  }
0xa1: {  	s23 =	simm.s32 $0x1B8B  }
0xa2: {  	_ =	swait.ge [sflag:s23], $0x1  }
0xa3: {  	[sflag:s23] =	ssyncset.done $0x0  }
0xa4: {  	s25 =	simm.s32 $0x1B8E;
	s24 =	sld [smem:$0x3FFE];
	[sflag:s23] =	ssyncadd.s32 $0xFFFFFFFF  }
0xa5: {  	s26 =	simm.s32 $execute0_lowered;
	[smem:$0x3FD2] =	sst s25  }
0xa6: {  	s5 =	sshll.u32 s26, $0x1;
	_ =	strace $0x80000049;
	[dreg:$0x1] =	wrdreg $0xFFFFFFFF  }
0xa7: {  	s28 =	simm.s32 $_size_execute0_lowered;
	s3 =	sadd.s32 s3, s5;
	[dreg:$0x0] =	wrdreg $0x0  }
0xa8: {  	s5 =	sshll.u32 s28, $0x1;
	[dreg:$0x2] =	wrdreg s3  }
0xa9: {  	[dreg:$0x3] =	wrdreg s5  }
0xaa: {  	[dreg:$0x4] =	wrdreg $0xC0  }
0xab: {  	_ =	task [dreg:s7], $0x5FFFF  }
0xac: {  	[dreg:$0x1] =	wrdreg $0xFFFFFFFF  }
0xad: {  	[dreg:$0x0] =	wrdreg $0x60  }
0xae: {  	[dreg:$0x2] =	wrdreg s2  }
0xaf: {  	[dreg:$0x3] =	wrdreg s24  }
0xb0: {  	[dreg:$0x4] =	wrdreg $0x9  }
0xb1: {  	_ =	task.clear_ibuf [dreg:s7], $0x5FFFF;
	_ =	strace $0x90000049  }
0xb2: {  	s29 =	simm.s32 $0x9;
	_ =	strace $0x8000004B  }
0xb3: {  	_ =	swait.ge [sflag:s29], $0x1  }
0xb4: {  	[sflag:s29] =	ssyncadd.s32 $0xFFFFFFFF  }
0xb5: {  	_ =	strace $0x9000004B  }
0xb6: {  	_ =	sfence  }
0xb7: {  	s30 =	sld [smem:$0x0];
	_ =	sdelay $0x2  }
0xb8: {  	s31 =	sshll.u32 s1, $0xD;
	s1 =	sshrl.u32 s1, $0x2  }
0xb9: {  	s3 =	sand.u32 $0x4000, s31;
	s1 =	sadd.s32 s1, s30  }
0xba: {  	s0 =	sor.u32 s3, s0;
	s1 =	sshll.u32 s1, $0x11  }
0xbb: {  	s0 =	sor.u32 s1, s0  }
0xbc: {  	s0 =	sadd.s32 $0x8F2B, s0  }
0xbd: {  	[sflag:s0] =	ssyncadd.remote.s32 $0x1  }
0xbe: {  	_ =	sfence.sel $0xFFFF  }
0xbf: {  	[dreg:$0x0] =	wrdreg $0xFFFFFFFF;
	(pc) =	sbr.abs _section_cstart, $3  }
0xc0: {  	[dreg:$0x1] =	wrdreg $0xFFFFFFFF  }
0xc1: {  	_ =	task.clear_ibuf [dreg:s7], $0x2FFFF;
	_ =	strace $0x9FFFFFFF  }
0xc2: {  	(tm) =	ssettm $0x7FFFFFFF  }
0xc3: {  	_ =	shalt  }
tec
execute0_lowered:
.L_overlay_start_1:
0x0: {  	(tag) =	ssettag $0x1  }
0x1: {  	s2 =	rddreg [dreg:$0x0]  }
0x2: {  	s7 =	rddreg [dreg:$0x1]  }
0x3: {  	s0 =	rddreg [dreg:$0x2]  }
0x4: {  	s1 =	srdreg.scid;
	_ =	strace $0x8000004A;
	s4 =	simm.s32 $0x1  }
0x5: {  	s9 =	simm.s32 $0x3;
	s12 =	simm.s32 $0x0;
	s5 =	sshll.u32 s1, $0x4  }
.Ltmp0:
0x6: {  	s1 =	stileid.u32;
	s5 =	sand.u32 $0x10, s5;
	(pc) =	sbr.rel .LBB2_1-.Ltmp0, $4  }
0x7: {  	s10 =	simm.s32 $0x0;
	s3 =	sadd.s32 $0x1800, s7;
	s6 =	sor.u32 s1, s5  }
0x8: {  	[sflag:s4] =	ssyncpa.u1 $0x0;
	s5 =	simm.s32 $0x2;
	s6 =	sshll.u32 s6, $0x7  }
0x9: {  	s7 =	sadd.s32 $0x12000, s7;
	[sflag:s5] =	ssyncpa.u1 $0x0;
	s8 =	sadd.s32 $0x80, s6  }
0xa: {  	vm0 =	vmmov $0xff;
	vm1 =	vcmask $0x3F20;
	[sflag:s9] =	ssyncpa.u1 $0x0;
	s9 =	simm.s32 $0x80;
	s11 =	smov.u32 s6  }
.LBB2_9:
0xb: {  	p0 =	seq.s32 s10, $0x2  }
.Ltmp1:
0xc: {  	_ = 	snop;
	(pc) =	sbr.rel @p0 .LBB2_11-.Ltmp1, $1  }
0xd: {  	_ =	sdelay $0x3  }
.LBB2_10:
0xe: {  	s12 =	sadd.s32 $0x80, s11  }
0xf: {  	s13 =	smov.u32 s6;
	p0 =	slt.s32 s12, s8  }
0x10: {  	s13 =	smov.u32 @p0 s12  }
0x11: {  	s10 =	sadd.s32 $0x1, s10;
	s12 =	smov.u32 s11;
	s11 =	smov.u32 s13  }
.LBB2_1:
0x12: {  	p0 =	sne.s32 s10, $0x0  }
.Ltmp2:
0x13: {  	_ = 	snop;
	(pc) =	sbr.rel @!p0 .LBB2_2-.Ltmp2, $1  }
0x14: {  	_ =	sdelay $0x3  }
0x15: {  	s13 =	sand.u32 $0x1, s10  }
0x16: {  	p0 =	seq.s32 s13, $0x0  }
.Ltmp3:
0x17: {  	_ = 	snop;
	(pc) =	sbr.rel @p0 .LBB2_9-.Ltmp3, $1  }
0x18: {  	_ =	sdelay $0x3  }
0x19: {  	_ =	swait.ge [sflag:s5], $0x80  }
0x1a: {  	[sflag:s5] =	ssyncset.done $0x0  }
0x1b: {  	s13 =	simm.s32 $0x0;
	[sflag:s5] =	ssyncadd.s32 $0xFFFFFF80  }
0x1c: {  	v0 =	vld.msk [tilespmem:s13+$0x80 ss:$0x1], $0xffff;
	_ =	sdelay $0x4  }
0x1d: {  	v1 =	vshrl.u32 v0, $0xC  }
0x1e: {  	vm2 =	veq.s32 v0, $0x80000000;
	v0 =	vshll.u32 v0, $0x8;
	v1 =	vand.u32 $0x1, v1  }
0x1f: {  	v0 =	vand.u32 $0xFFF00, v0;
	v1 =	vsel vm2, $0xFFFFFFFF, v1  }
0x20: {  	v0 =	vsel vm2, $0xFFFFFF00, v0;
	v2 =	vand.u32 $0xFFFFFF00, v1;
	v1 =	vshll.u32 v1, $0x7  }
0x21: {  	v0 =	vadd.s32 v0, v2;
	v1 =	vand.u32 $0x80, v1  }
0x22: {  	v0 =	vor.u32 v1, v0  }
0x23: {  	v0 =	vshrl.u32 v0, $0x3;
	_ =	sdelay $0x3  }
0x24: {  	s13 =	simm.s32 $0x4100  }
0x25: {  	[tilespmem:s13], [sflag:$0x1] =	stream.indirect_vreg.gather [hbm:s2], $0x80, v0, vm0, $0x38;
	[tilespmem:$0x8100] =	vst v63  }
0x26: {  	s14 =	simm.s32 $0x4500;
	s31 =	simm.s32 $0x10  }
0x27: {  	[tilespmem:s14], [sflag:$0x1] =	stream.indirect_vreg.gather [hbm:s2], $0x80, v0, vm1, $0x38;
	[tilespmem:$0x8100] =	vst v63  }
0x28: {  	s14 =	simm.s32 $0x80;
	v0 =	vld.msk [tilespmem:s31+$0x80 ss:$0x1], $0xffff  }
.LBB2_5:
0x29: {  	p0 =	sne.s32 s14, $0x1C0;
	_ =	sdelay $0x4  }
0x2a: {  	v1 =	vshrl.u32 v0, $0xC  }
0x2b: {  	vm2 =	veq.s32 v0, $0x80000000;
	v0 =	vshll.u32 v0, $0x8;
	v1 =	vand.u32 $0x1, v1  }
0x2c: {  	v0 =	vand.u32 $0xFFF00, v0;
	v1 =	vsel vm2, $0xFFFFFFFF, v1  }
0x2d: {  	v0 =	vsel vm2, $0xFFFFFF00, v0;
	v2 =	vand.u32 $0xFFFFFF00, v1;
	v1 =	vshll.u32 v1, $0x7  }
0x2e: {  	v0 =	vadd.s32 v0, v2;
	v1 =	vand.u32 $0x80, v1  }
0x2f: {  	v0 =	vor.u32 v1, v0  }
0x30: {  	v0 =	vshrl.u32 v0, $0x3;
	_ =	sdelay $0x3  }
.Ltmp4:
0x31: {  	s13 =	sadd.s32 $0x800, s13;
	(pc) =	sbr.rel @p0 .LBB2_5-.Ltmp4, $4  }
0x32: {  	[tilespmem:s13], [sflag:$0x1] =	stream.indirect_vreg.gather [hbm:s2], $0x80, v0, vm0, $0x38;
	[tilespmem:$0x8100] =	vst v63  }
0x33: {  	s15 =	sshra.s32 s14, $0x2;
	s16 =	sadd.s32 $0x400, s13  }
0x34: {  	[tilespmem:s16], [sflag:$0x1] =	stream.indirect_vreg.gather [hbm:s2], $0x80, v0, vm1, $0x38;
	[tilespmem:$0x8100] =	vst v63  }
0x35: {  	s14 =	sadd.s32 $0x40, s14;
	v0 =	vld.msk [tilespmem:s15+$0x80 ss:$0x1], $0xffff  }
0x36: {  	_ =	sdelay $0x3  }
0x37: {  	v1 =	vshrl.u32 v0, $0xC  }
0x38: {  	vm2 =	veq.s32 v0, $0x80000000;
	v63 =	vshll.u32 v0, $0x8;
	v1 =	vand.u32 $0x1, v1  }
0x39: {  	v0 =	vand.u32 $0xFFF00, v63;
	v1 =	vsel vm2, $0xFFFFFFFF, v1  }
0x3a: {  	v0 =	vsel vm2, $0xFFFFFF00, v0;
	v2 =	vand.u32 $0xFFFFFF00, v1;
	v1 =	vshll.u32 v1, $0x7  }
0x3b: {  	v0 =	vadd.s32 v0, v2;
	v1 =	vand.u32 $0x80, v1  }
0x3c: {  	v0 =	vor.u32 v1, v0  }
0x3d: {  	v0 =	vshrl.u32 v0, $0x3;
	_ =	sdelay $0x3  }
0x3e: {  	s13 =	sadd.s32 $0x800, s13  }
0x3f: {  	[tilespmem:s13], [sflag:$0x1] =	stream.indirect_vreg.gather [hbm:s2], $0x80, v0, vm0, $0x38;
	[tilespmem:$0x8100] =	vst v63  }
0x40: {  	s13 =	sadd.s32 $0x400, s13  }
0x41: {  	[tilespmem:s13], [sflag:$0x1] =	stream.indirect_vreg.gather [hbm:s2], $0x80, v0, vm1, $0x38;
	[tilespmem:$0x8100] =	vst v63  }
0x42: {  	s12 =	sshll.u32 s12, $0x4;
	s14 =	simm.s32 $0x80;
	_ =	swait.ge [sflag:s4], $0x4000  }
0x43: {  	s15 =	simm.s32 $0x4500;
	s12 =	sadd.s32 s12, s7;
	[sflag:s4] =	ssyncset.done $0x0  }
0x44: {  	s16 =	sadd.s32 $0x0, s12;
	s13 =	simm.s32 $0x4100;
	[sflag:s4] =	ssyncadd.s32 $0xFFFFC000  }
.LBB2_7:
0x45: {  	[hbm:s16] =	stream.linear.scatter [tilespmem:s13], [sflag:$0x3], $0x400, $0x38;
	[tilespmem:$0x8100] =	vst v63  }
0x46: {  	s16 =	smov.u32 s14;
	s13 =	smov.u32 s15;
	p0 =	sne.s32 s14, $0x780  }
.Ltmp5:
0x47: {  	s14 =	sadd.s32 $0x80, s14;
	(pc) =	sbr.rel @p0 .LBB2_7-.Ltmp5, $2  }
0x48: {  	_ =	sdelay $0x2  }
0x49: {  	s15 =	sadd.s32 $0x400, s15;
	s16 =	sadd.s32 s16, s12  }
.Ltmp6:
0x4a: {  	(pc) =	sbr.rel .LBB2_9-.Ltmp6, $2  }
0x4b: {  	_ =	sdelay $0x2  }
0x4c: {  	[hbm:s16] =	stream.linear.scatter [tilespmem:s13], [sflag:$0x3], $0x400, $0x38;
	[tilespmem:$0x8100] =	vst v63  }
.LBB2_2:
.Ltmp7:
0x4d: {  	(pc) =	sbr.rel .LBB2_10-.Ltmp7, $4  }
0x4e: {  	_ = 	snop  }
0x4f: {  	s12 =	sshrl.u32 s11, $0x3  }
0x50: {  	s13 =	sand.u32 $0x7, s11;
	s12 =	sadd.s32 s3, s12  }
0x51: {  	[tilespmem:s9], [sflag:$0x2] =	stream.linear.gather [hbm4b:s12+s13], $0x80, $0x38;
	[tilespmem:$0x8100] =	vst v63  }
.LBB2_11:
0x52: {  	s2 =	simm.s32 $0x3  }
0x53: {  	_ =	swait.ge [sflag:s2], $0x4000  }
0x54: {  	[sflag:s2] =	ssyncset.done $0x0  }
0x55: {  	[sflag:s2] =	ssyncadd.s32 $0xFFFFC000  }
0x56: {  	_ =	sfence.sel $0x180000  }
0x57: {  	s3 =	simm.s32 $0x2;
	[bflag:$0x0] =	sbarrier.arrive $0xFFFF  }
0x58: {  	[sflag:s3] =	ssyncpa.u1 $0x1  }
0x59: {  	s31 =	simm.s32 $0x1;
	[sflag:s2] =	ssyncpa.u1 $0x1  }
0x5a: {  	[sflag:s31] =	ssyncpa.u1 $0x1  }
0x5b: {  	p0 =	sne.s32 s1, $0x0;
	_ =	strace $0x9000004A  }
0x5c: {  	s0 =	sadd.s32 @!p0 $0x100000, s0;
	[bflag:$0x2] =	sbarrier.arrive $0xFFFF  }
0x5d: {  	[sflag:s0] =	ssyncadd.tile.s32 @!p0 $0x1;
	_ =	shalt  }
.Lfunc_end2:
_tile_overlayer_lowered:
.L_overlay_start_2:
0x5e: {  	(tag) =	ssettag $0x2  }
0x5f: {  	s0 =	rddreg [dreg:$0x0];
	s2 =	stileid.u32  }
0x60: {  	s1 =	rddreg [dreg:$0x1];
	p0 =	sne.s32 s2, $0x0  }
0x61: {  	s3 =	rddreg [dreg:$0x2];
	[bflag:$0x3] =	sbarrier.arrive $0xFFFF;
	s2 =	simm.s32 @!p0 $0x1C01  }
0x62: {  	[timem:s3], [sflag:s2] =	dma.local @!p0 [hbm:s0], s1  }
0x63: {  	s0 =	simm.s32 @!p0 $0x1  }
0x64: {  	_ =	swait.ge @!p0 [sflag:s0], s1  }
0x65: {  	s1 =	ssub.s32 @!p0 $0x0, s1;
	[sflag:s0] =	ssyncset.done @!p0 $0x0  }
0x66: {  	[sflag:s0] =	ssyncadd.s32 @!p0 s1  }
0x67: {  	[bflag:$0x3] =	sbarrier.arrive $0xFFFF  }
0x68: {  	_ =	shalt  }

// kernel: kernel.4.cloned.1.call-start
scs
__scs_entry_jumppad:
0x0: {  	(pc) =	sbr.rel $0x88, $3  }
0x1: {  	(tag) =	ssettag $0x0;
	lr =	simm.s32 $0x1  }
0x2: {  	[smem:$0x3F9D] =	sst lr;
	_ =	strace $0xD0000000  }
0x3: {  	_ = 	snop  }
0x4: {  	_ = 	snop  }
0x5: {  	_ = 	snop  }
0x6: {  	_ = 	snop  }
0x7: {  	_ = 	snop  }
__scs_overlays_trampoline_lowered:
0x8: {  	[smem:$0x3FAC] =	sst s0  }
0x9: {  	[smem:$0x3FAD] =	sst s1  }
0xa: {  	[smem:$0x3FAE] =	sst s2  }
0xb: {  	[smem:$0x3FAF] =	sst s3  }
0xc: {  	[smem:$0x3FB0] =	sst s4  }
0xd: {  	[smem:$0x3FB1] =	sst s5  }
0xe: {  	[smem:$0x3FB2] =	sst s6  }
0xf: {  	[smem:$0x3FB3] =	sst s7  }
0x10: {  	[smem:$0x3FB4] =	sst s8  }
0x11: {  	[smem:$0x3FB5] =	sst s9;
	s0 =	simm.s32 @!p0 $0x0  }
0x12: {  	s1 =	sld [smem:$0x3F9B];
	s0 =	simm.s32 @p0 $0x1  }
0x13: {  	[smem:$0x3FB6] =	sst s0;
	s0 =	simm.s32 @!p1 $0x0  }
0x14: {  	s2 =	sld [smem:$0x3F9A];
	s0 =	simm.s32 @p1 $0x1  }
0x15: {  	[smem:$0x3FB7] =	sst s0;
	s0 =	simm.s32 @!p2 $0x0  }
0x16: {  	s3 =	sld [smem:$0x3FDB];
	s0 =	simm.s32 @p2 $0x1  }
0x17: {  	s4 =	simm.s32 $0x1BF5;
	[smem:$0x3FB9] =	sst s0  }
0x18: {  	s0 =	sld [smem:$0x3F9C];
	_ =	swait.ge [sflag:s4], $0x0  }
0x19: {  	s7 =	sld [smem:$0x3F9D]  }
0x1a: {  	s8 =	sadd.s32 $0xFFFFE003, lr  }
0x1b: {  	s9 =	sadd.s32 $0xFFFFFEF7, lr;
	s5 =	simm.s32 $0xFFFFFFFF;
	p2 =	slt.u32 s8, $0xFFFFF086  }
0x1c: {  	p1 =	slt.u32 s9, $0xF7A;
	s5 =	simm.s32 @!p2 $0x0  }
0x1d: {  	s5 =	simm.s32 @p1 $0x1;
	p0 =	seq.s32 s7, s2  }
0x1e: {  	s7 =	smul.u32 @!p0 $0xF7A, s2;
	p2 =	seq.s32 @!p0 s5, $0x0  }
0x1f: {  	s9 =	smul.u32 $0xF7A, s1;
	s8 =	simm.s32 @!p0 $0x1BF5;
	p2 =	por !p2, p0  }
0x20: {  	[sflag:s8] =	ssyncset.s32 @!p0 $0xFFFFF086;
	s6 =	sadd.s32 @!p0 s3, s7;
	s7 =	simm.s32 @!p0 $0x108  }
0x21: {  	s3 =	sadd.s32 s3, s9;
	s6 =	sadd.s32 @!p0 $0x88, s6;
	s7 =	simm.s32 @p2 $0x1082  }
0x22: {  	[simem:s7], [sflag:s8] =	dma.local @!p0 [hbm:s6], $0xF7A  }
0x23: {  	s9 =	sor.u32 $0xD0000000, s2;
	s6 =	simm.s32 $0x108;
	_ =	swait.ge @!p0 [sflag:s8], $0x0  }
0x24: {  	s3 =	sadd.s32 $0x88, s3;
	s6 =	simm.s32 @!p1 $0x1082;
	[sflag:s4] =	ssyncset.s32 $0xFFFFF086  }
0x25: {  	[simem:s6], [sflag:s4] =	dma.local [hbm:s3], $0xF7A  }
0x26: {  	[smem:$0x3F9D] =	sst s1;
	(tag) =	ssettag s2;
	_ =	strace s9  }
0x27: {  	s1 =	sld [smem:$0x3FAD]  }
0x28: {  	s2 =	sld [smem:$0x3FAE]  }
0x29: {  	s4 =	sld [smem:$0x3FB0]  }
0x2a: {  	p0 =	seq.s32 s5, $0x0;
	s5 =	sld [smem:$0x3FB1]  }
0x2b: {  	s6 =	sld [smem:$0x3FB2]  }
0x2c: {  	s7 =	sld [smem:$0x3FB3]  }
0x2d: {  	s3 =	simm.s32 $0x108;
	s8 =	sld [smem:$0x3FB4]  }
0x2e: {  	s3 =	simm.s32 @!p0 $0x1082;
	s9 =	sld [smem:$0x3FB5]  }
0x2f: {  	lr =	sadd.s32 s0, s3;
	s0 =	sld [smem:$0x3FAC]  }
0x30: {  	s3 =	sld [smem:$0x3FAF]  }
0x31: {  	[smem:$0x3FB8] =	sst s10  }
0x32: {  	s10 =	sld [smem:$0x3FB6];
	_ =	sdelay $0x3  }
0x33: {  	p0 =	seq.s32 s10, $0x1;
	s10 =	sld [smem:$0x3FB8];
	_ =	sdelay $0x3  }
0x34: {  	[smem:$0x3FB8] =	sst s10  }
0x35: {  	s10 =	sld [smem:$0x3FB7];
	_ =	sdelay $0x3  }
0x36: {  	p1 =	seq.s32 s10, $0x1;
	s10 =	sld [smem:$0x3FB8];
	_ =	sdelay $0x3  }
0x37: {  	[smem:$0x3FB8] =	sst s10  }
0x38: {  	s10 =	sld [smem:$0x3FB9]  }
0x39: {  	_ = 	snop;
	(pc) =	sbr.ind lr, $3  }
0x3a: {  	_ = 	snop  }
0x3b: {  	_ = 	snop  }
0x3c: {  	p2 =	seq.s32 s10, $0x1;
	s10 =	sld [smem:$0x3FB8]  }
0x3d: {  	_ =	shalt  }
0x3e: {  	_ =	shalt  }
0x3f: {  	_ =	shalt  }
0x40: {  	_ =	shalt  }
0x41: {  	_ =	shalt  }
0x42: {  	_ =	shalt  }
0x43: {  	_ =	shalt  }
0x44: {  	_ =	shalt  }
0x45: {  	_ =	shalt  }
0x46: {  	_ =	shalt  }
0x47: {  	_ =	shalt  }
0x48: {  	_ =	shalt  }
0x49: {  	_ =	shalt  }
0x4a: {  	_ =	shalt  }
0x4b: {  	_ =	shalt  }
0x4c: {  	_ =	shalt  }
0x4d: {  	_ =	shalt  }
0x4e: {  	_ =	shalt  }
0x4f: {  	_ =	shalt  }
0x50: {  	_ =	shalt  }
0x51: {  	_ =	shalt  }
0x52: {  	_ =	shalt  }
0x53: {  	_ =	shalt  }
0x54: {  	_ =	shalt  }
0x55: {  	_ =	shalt  }
0x56: {  	_ =	shalt  }
0x57: {  	_ =	shalt  }
0x58: {  	_ =	shalt  }
0x59: {  	_ =	shalt  }
0x5a: {  	_ =	shalt  }
0x5b: {  	_ =	shalt  }
0x5c: {  	_ =	shalt  }
0x5d: {  	_ =	shalt  }
0x5e: {  	_ =	shalt  }
0x5f: {  	_ =	shalt  }
0x60: {  	_ =	shalt  }
0x61: {  	_ =	shalt  }
0x62: {  	_ =	shalt  }
0x63: {  	_ =	shalt  }
0x64: {  	_ =	shalt  }
0x65: {  	_ =	shalt  }
0x66: {  	_ =	shalt  }
0x67: {  	_ =	shalt  }
0x68: {  	_ =	shalt  }
0x69: {  	_ =	shalt  }
0x6a: {  	_ =	shalt  }
0x6b: {  	_ =	shalt  }
0x6c: {  	_ =	shalt  }
0x6d: {  	_ =	shalt  }
0x6e: {  	_ =	shalt  }
0x6f: {  	_ =	shalt  }
0x70: {  	_ =	shalt  }
0x71: {  	_ =	shalt  }
0x72: {  	_ =	shalt  }
0x73: {  	_ =	shalt  }
0x74: {  	_ =	shalt  }
0x75: {  	_ =	shalt  }
0x76: {  	_ =	shalt  }
0x77: {  	_ =	shalt  }
0x78: {  	_ =	shalt  }
0x79: {  	_ =	shalt  }
0x7a: {  	_ =	shalt  }
0x7b: {  	_ =	shalt  }
0x7c: {  	_ =	shalt  }
0x7d: {  	_ =	shalt  }
0x7e: {  	_ =	shalt  }
0x7f: {  	_ =	shalt  }
0x80: {  	_ =	shalt  }
0x81: {  	_ =	shalt  }
0x82: {  	_ =	shalt  }
0x83: {  	_ =	shalt  }
0x84: {  	_ =	shalt  }
0x85: {  	_ =	shalt  }
0x86: {  	_ =	shalt  }
0x87: {  	_ =	shalt  }
.Lfunc_end0:
.L_simem_size_0:
called_computation.2_lowered:
.L_overlay_start_0:
0x88: {  	s2 =	sld [smem:$0x3FD9]  }
0x89: {  	s3 =	sld [smem:$0x3FFE];
	_ =	sdelay $0x1  }
0x8a: {  	s1 =	srdreg.scid  }
0x8b: {  	s0 =	sand.u32 $0x1, s1  }
0x8c: {  	s17 =	sshll.u32 s0, $0xA;
	s2 =	sadd.s32 s3, s2  }
0x8d: {  	s2 =	sadd.s32 s2, s17  }
0x8e: {  	[smem:$0x3FC4] =	sst s2  }
0x8f: {  	_ = 	snop  }
0x90: {  	s2 =	sld [smem:$0x3FD0];
	(tm) =	ssettm $0x1  }
0x91: {  	s18 =	sld [smem:$0x3FFB];
	_ =	sdelay $0x3  }
0x92: {  	_ =	strace s18  }
0x93: {  	s3 =	sld [smem:$0x3FFC];
	_ =	sdelay $0x3  }
0x94: {  	_ =	strace s3  }
0x95: {  	s3 =	sld [smem:$0x3FFD];
	_ =	sdelay $0x3  }
0x96: {  	_ =	strace s3  }
0x97: {  	_ =	strace $0x8FFFFFFF  }
0x98: {  	s19 =	sld [smem:$0x3FDB];
	_ =	sdelay $0x1  }
0x99: {  	s4 =	simm.s32 $_scs_section_size  }
0x9a: {  	s5 =	simm.s32 $_size__tile_overlayer_lowered;
	s6 =	simm.s32 $_tile_overlayer_lowered  }
0x9b: {  	s22 =	simm.s32 $0x1BFF;
	s21 =	sshll.u32 s6, $0x1;
	s3 =	sadd.s32 s4, s19  }
0x9c: {  	s7 =	simm.s32 $0x0;
	s20 =	sshll.u32 s5, $0x1;
	s5 =	sadd.s32 s21, s3  }
0x9d: {  	[timem:s7], [sflag:s22] =	dma.local [hbm:s5], s20  }
0x9e: {  	_ =	swait.ge [sflag:s22], s20  }
0x9f: {  	s4 =	ssub.s32 $0x0, s20;
	[sflag:s22] =	ssyncset.done $0x0  }
0xa0: {  	[sflag:s22] =	ssyncadd.s32 s4;
	_ =	sdelay $0x1  }
0xa1: {  	s23 =	simm.s32 $0x1B8B  }
0xa2: {  	_ =	swait.ge [sflag:s23], $0x1  }
0xa3: {  	[sflag:s23] =	ssyncset.done $0x0  }
0xa4: {  	s25 =	simm.s32 $0x1B8E;
	s24 =	sld [smem:$0x3FFE];
	[sflag:s23] =	ssyncadd.s32 $0xFFFFFFFF  }
0xa5: {  	s26 =	simm.s32 $execute0_lowered;
	[smem:$0x3FD2] =	sst s25  }
0xa6: {  	s5 =	sshll.u32 s26, $0x1;
	_ =	strace $0x80000046;
	[dreg:$0x1] =	wrdreg $0xFFFFFFFF  }
0xa7: {  	s28 =	simm.s32 $_size_execute0_lowered;
	s3 =	sadd.s32 s3, s5;
	[dreg:$0x0] =	wrdreg $0x0  }
0xa8: {  	s5 =	sshll.u32 s28, $0x1;
	[dreg:$0x2] =	wrdreg s3  }
0xa9: {  	[dreg:$0x3] =	wrdreg s5  }
0xaa: {  	[dreg:$0x4] =	wrdreg $0xC0  }
0xab: {  	_ =	task [dreg:s7], $0x5FFFF  }
0xac: {  	[dreg:$0x1] =	wrdreg $0xFFFFFFFF  }
0xad: {  	[dreg:$0x0] =	wrdreg $0x60  }
0xae: {  	[dreg:$0x2] =	wrdreg s24  }
0xaf: {  	[dreg:$0x3] =	wrdreg s2  }
0xb0: {  	[dreg:$0x4] =	wrdreg $0x9  }
0xb1: {  	_ =	task.clear_ibuf [dreg:s7], $0x5FFFF;
	_ =	strace $0x90000046  }
0xb2: {  	s29 =	simm.s32 $0x9;
	_ =	strace $0x80000048  }
0xb3: {  	_ =	swait.ge [sflag:s29], $0x1  }
0xb4: {  	[sflag:s29] =	ssyncadd.s32 $0xFFFFFFFF  }
0xb5: {  	_ =	strace $0x90000048  }
0xb6: {  	_ =	sfence  }
0xb7: {  	s30 =	sld [smem:$0x0];
	_ =	sdelay $0x2  }
0xb8: {  	s31 =	sshll.u32 s1, $0xD;
	s1 =	sshrl.u32 s1, $0x2  }
0xb9: {  	s3 =	sand.u32 $0x4000, s31;
	s1 =	sadd.s32 s1, s30  }
0xba: {  	s0 =	sor.u32 s3, s0;
	s1 =	sshll.u32 s1, $0x11  }
0xbb: {  	s0 =	sor.u32 s1, s0  }
0xbc: {  	s0 =	sadd.s32 $0x8F2B, s0  }
0xbd: {  	[sflag:s0] =	ssyncadd.remote.s32 $0x1  }
0xbe: {  	_ =	sfence.sel $0xFFFF  }
0xbf: {  	[dreg:$0x0] =	wrdreg $0xFFFFFFFF;
	(pc) =	sbr.abs _section_cstart, $3  }
0xc0: {  	[dreg:$0x1] =	wrdreg $0xFFFFFFFF  }
0xc1: {  	_ =	task.clear_ibuf [dreg:s7], $0x2FFFF;
	_ =	strace $0x9FFFFFFF  }
0xc2: {  	(tm) =	ssettm $0x7FFFFFFF  }
0xc3: {  	_ =	shalt  }
tec
execute0_lowered:
.L_overlay_start_1:
0x0: {  	(tag) =	ssettag $0x1  }
0x1: {  	s0 =	srdreg.scid;
	s1 =	rddreg [dreg:$0x0]  }
0x2: {  	s2 =	stileid.u32;
	s5 =	rddreg [dreg:$0x1]  }
0x3: {  	s0 =	sand.u32 $0x1, s0;
	s3 =	sshll.u32 s2, $0x8;
	s2 =	simm.s32 $0x0  }
0x4: {  	s4 =	sshll.u32 s0, $0x7;
	[smem:$0x7FF] =	sst s2  }
0x5: {  	s0 =	ssub.s32 $0x2, s0;
	s4 =	sor.u32 s4, s3;
	_ =	strace $0x80000047  }
0x6: {  	s8 =	sshrl.u32 s0, $0x1;
	s3 =	sshrl.u32 s4, $0x3;
	s7 =	sshll.u32 s4, $0x4  }
0x7: {  	s4 =	sadd.s32 $0x16E4E00, s1;
	s0 =	ssub.s32 s0, s8;
	s5 =	sadd.s32 s5, s7  }
0x8: {  	s6 =	sadd.s32 s3, s1;
	s0 =	smax.u32 s0, $0x1;
	[dreg:$0xe] =	wrdreg s5  }
0x9: {  	s3 =	sadd.s32 $0xF43C00, s1;
	s31 =	sadd.s32 $0x1E00, s6;
	[dreg:$0x10] =	wrdreg s0  }
0xa: {  	s1 =	sadd.s32 s7, s1;
	s6 =	sadd.s32 $0x1C00, s6;
	[dreg:$0xc] =	wrdreg s31  }
0xb: {  	s1 =	sadd.s32 $0x2000, s1;
	[dreg:$0xd] =	wrdreg s6  }
0xc: {  	s5 =	simm.s32 $0x3;
	[dreg:$0xf] =	wrdreg s1;
	s1 =	simm.s32 $0x0  }
.LBB2_1:
0xd: {  	[dreg:$0x11] =	wrdreg s1  }
0xe: {  	s0 =	rddreg [dreg:$0xc]  }
0xf: {  	[tilespmem:s2], [sflag:$0x3] =	stream.linear.gather [hbm4b:s0+s2], $0x80, $0x38;
	[tilespmem:$0x8100] =	vst v63  }
0x10: {  	_ =	swait.ge [sflag:s5], $0x80  }
0x11: {  	[sflag:s5] =	ssyncset.done $0x0  }
0x12: {  	s22 =	simm.s32 $0x80;
	s23 =	rddreg [dreg:$0xd];
	[sflag:s5] =	ssyncadd.s32 $0xFFFFFF80  }
0x13: {  	[tilespmem:s22], [sflag:$0x3] =	stream.linear.gather [hbm4b:s23+s2], $0x80, $0x38;
	[tilespmem:$0x8100] =	vst v63  }
0x14: {  	_ =	swait.ge [sflag:s5], $0x80  }
0x15: {  	[sflag:s5] =	ssyncset.done $0x0  }
0x16: {  	[sflag:s5] =	ssyncadd.s32 $0xFFFFFF80  }
0x17: {  	v0 =	vld [tilespmem:s2+$0x0]  }
0x18: {  	v2 =	vld [tilespmem:s22+$0x0];
	_ =	sdelay $0x3  }
0x19: {  	v1 =	vshll.u32 v0, $0x4  }
0x1a: {  	v63 =	vshll.u32 v2, $0x4;
	(v2sf) =	vpush v1, $0x0  }
0x1b: {  	(v2sf) =	vpush v63, $0x0  }
0x1c: {  	(v2sf) =	vpush v1, $0x1;
	_ =	sdelay $0x2  }
0x1d: {  	(v2sf) =	vpush v63, $0x1;
	_ =	sdelay $0x1  }
0x1e: {  	(v2sf) =	vpush v1, $0x2;
	_ =	sdelay $0x1  }
0x1f: {  	(v2sf) =	vpush v63, $0x2;
	_ =	sdelay $0x1  }
0x20: {  	s17 =	simm.s32 $0x2000;
	(v2sf) =	vpush v1, $0x3  }
0x21: {  	s16 =	simm.s32 $0x0;
	s6 =	simm.s32 $0x4100;
	s1 =	simm.s32 $0x580  }
0x22: {  	s7 =	simm.s32 $0x100;
	s9 =	simm.s32 $0x300;
	s10 =	simm.s32 $0x280  }
0x23: {  	s26 =	simm.s32 $0x180;
	s30 =	simm.s32 $0x4180;
	s15 =	simm.s32 $0x4200  }
0x24: {  	s20 =	simm.s32 $0x4700;
	s0 =	simm.s32 $0x4600;
	s8 =	spop (v2sf);
	(v2sf) =	vpush v63, $0x3  }
0x25: {  	s23 =	simm.s32 $0x4300;
	s8 =	sand.u32 $0x1FFFFFF0, s8;
	s11 =	spop (v2sf)  }
0x26: {  	s5 =	simm.s32 $0x380;
	(v2sf) =	vpush v1, $0x4;
	s8 =	sadd.s32 s3, s8;
	s25 =	spop (v2sf)  }
0x27: {  	(v2sf) =	vpush v63, $0x4;
	[tilespmem:s7], [sflag:$0x1] =	stream.linear.gather [hbm4b:s8+s2], $0x80, $0x38;
	[tilespmem:$0x8100] =	vst v63  }
0x28: {  	s24 =	sand.u32 $0x1FFFFFF0, s11;
	s7 =	simm.s32 $0x4280;
	s11 =	sand.u32 $0x1FFFFFF0, s25  }
0x29: {  	s8 =	sadd.s32 s4, s24;
	s12 =	spop (v2sf);
	(v2sf) =	vpush v1, $0x5;
	s28 =	sadd.s32 s3, s11  }
0x2a: {  	(v2sf) =	vpush v63, $0x5;
	[tilespmem:s6], [sflag:$0x2] =	stream.linear.gather [hbm4b:s8+s2], $0x80, $0x38;
	[tilespmem:$0x8100] =	vst v63  }
0x2b: {  	s29 =	sand.u32 $0x1FFFFFF0, s12;
	s31 =	spop (v2sf);
	s12 =	simm.s32 $0x200  }
0x2c: {  	(v2sf) =	vpush v1, $0x6;
	[tilespmem:s26], [sflag:$0x1] =	stream.linear.gather [hbm4b:s28+s2], $0x80, $0x38;
	[tilespmem:$0x8100] =	vst v63  }
0x2d: {  	s11 =	sadd.s32 s4, s29;
	s8 =	sand.u32 $0x1FFFFFF0, s31;
	s13 =	spop (v2sf)  }
0x2e: {  	[tilespmem:s30], [sflag:$0x2] =	stream.linear.gather [hbm4b:s11+s2], $0x80, $0x38;
	[tilespmem:$0x8100] =	vst v63  }
0x2f: {  	s8 =	sadd.s32 s3, s8;
	s14 =	spop (v2sf);
	s11 =	sand.u32 $0x1FFFFFF0, s13  }
0x30: {  	(v2sf) =	vpush v63, $0x6;
	[tilespmem:s12], [sflag:$0x1] =	stream.linear.gather [hbm4b:s8+s2], $0x80, $0x38;
	[tilespmem:$0x8100] =	vst v63  }
0x31: {  	s29 =	simm.s32 $0x4380;
	s19 =	sand.u32 $0x1FFFFFF0, s14;
	s18 =	sadd.s32 s4, s11  }
0x32: {  	[tilespmem:s15], [sflag:$0x2] =	stream.linear.gather [hbm4b:s18+s2], $0x80, $0x38;
	[tilespmem:$0x8100] =	vst v63  }
0x33: {  	s31 =	simm.s32 $0x400;
	s22 =	sadd.s32 s3, s19;
	s21 =	spop (v2sf)  }
0x34: {  	(v2sf) =	vpush v1, $0x7;
	[tilespmem:s10], [sflag:$0x1] =	stream.linear.gather [hbm4b:s22+s2], $0x80, $0x38;
	[tilespmem:$0x8100] =	vst v63  }
0x35: {  	s19 =	simm.s32 $0x4400;
	s6 =	sand.u32 $0x1FFFFFF0, s21;
	s24 =	spop (v2sf)  }
0x36: {  	s13 =	simm.s32 $0x780;
	(v2sf) =	vpush v63, $0x7;
	s6 =	sadd.s32 s4, s6;
	s25 =	spop (v2sf)  }
0x37: {  	(v2sf) =	vpush v1, $0x8;
	[tilespmem:s7], [sflag:$0x2] =	stream.linear.gather [hbm4b:s6+s2], $0x80, $0x38;
	[tilespmem:$0x8100] =	vst v63  }
0x38: {  	s10 =	sand.u32 $0x1FFFFFF0, s24;
	s28 =	sand.u32 $0x1FFFFFF0, s25;
	s30 =	spop (v2sf)  }
0x39: {  	s26 =	sadd.s32 s3, s10;
	(v2sf) =	vpush v63, $0x8;
	s7 =	sadd.s32 s4, s28;
	s10 =	spop (v2sf)  }
0x3a: {  	(v2sf) =	vpush v1, $0x9;
	[tilespmem:s9], [sflag:$0x1] =	stream.linear.gather [hbm4b:s26+s2], $0x80, $0x38;
	[tilespmem:$0x8100] =	vst v63  }
0x3b: {  	s9 =	sand.u32 $0x1FFFFFF0, s30;
	s11 =	spop (v2sf);
	s26 =	simm.s32 $0x4480  }
0x3c: {  	(v2sf) =	vpush v63, $0x9;
	[tilespmem:s23], [sflag:$0x2] =	stream.linear.gather [hbm4b:s7+s2], $0x80, $0x38;
	[tilespmem:$0x8100] =	vst v63  }
0x3d: {  	s8 =	sadd.s32 s3, s9;
	s9 =	sand.u32 $0x1FFFFFF0, s10;
	s14 =	sand.u32 $0x1FFFFFF0, s11;
	(v2sf) =	vpush v1, $0xA  }
0x3e: {  	[tilespmem:s5], [sflag:$0x1] =	stream.linear.gather [hbm4b:s8+s2], $0x80, $0x38;
	[tilespmem:$0x8100] =	vst v63  }
0x3f: {  	s10 =	simm.s32 $0x4780;
	s15 =	spop (v2sf);
	s12 =	sadd.s32 s4, s9;
	(v2sf) =	vpush v63, $0xA  }
0x40: {  	[tilespmem:s29], [sflag:$0x2] =	stream.linear.gather [hbm4b:s12+s2], $0x80, $0x38;
	[tilespmem:$0x8100] =	vst v63  }
0x41: {  	s11 =	simm.s32 $0x4580;
	s18 =	sadd.s32 s3, s14;
	s6 =	sand.u32 $0x1FFFFFF0, s15  }
0x42: {  	[tilespmem:s31], [sflag:$0x1] =	stream.linear.gather [hbm4b:s18+s2], $0x80, $0x38;
	[tilespmem:$0x8100] =	vst v63  }
0x43: {  	s23 =	simm.s32 $0x480;
	s6 =	sadd.s32 s4, s6;
	s21 =	spop (v2sf)  }
0x44: {  	[tilespmem:s19], [sflag:$0x2] =	stream.linear.gather [hbm4b:s6+s2], $0x80, $0x38;
	[tilespmem:$0x8100] =	vst v63  }
0x45: {  	s14 =	simm.s32 $0x600;
	(v2sf) =	vpush v1, $0xB;
	s8 =	sand.u32 $0x1FFFFFF0, s21;
	s22 =	spop (v2sf)  }
0x46: {  	s5 =	simm.s32 $0x4680;
	s24 =	sadd.s32 s3, s8;
	s28 =	spop (v2sf)  }
0x47: {  	(v2sf) =	vpush v63, $0xB;
	[tilespmem:s23], [sflag:$0x1] =	stream.linear.gather [hbm4b:s24+s2], $0x80, $0x38;
	[tilespmem:$0x8100] =	vst v63  }
0x48: {  	s29 =	simm.s32 $0x500;
	s25 =	sand.u32 $0x1FFFFFF0, s22;
	s30 =	spop (v2sf)  }
0x49: {  	s8 =	sadd.s32 s4, s25;
	s7 =	sand.u32 $0x1FFFFFF0, s28;
	s31 =	spop (v2sf)  }
0x4a: {  	(v2sf) =	vpush v1, $0xC;
	[tilespmem:s26], [sflag:$0x2] =	stream.linear.gather [hbm4b:s8+s2], $0x80, $0x38;
	[tilespmem:$0x8100] =	vst v63  }
0x4b: {  	s7 =	sadd.s32 s3, s7;
	s8 =	sand.u32 $0x1FFFFFF0, s30;
	s12 =	spop (v2sf)  }
0x4c: {  	(v2sf) =	vpush v63, $0xC;
	s9 =	sand.u32 $0x1FFFFFF0, s31;
	s26 =	simm.s32 $0x680;
	s15 =	spop (v2sf)  }
0x4d: {  	[tilespmem:s29], [sflag:$0x1] =	stream.linear.gather [hbm4b:s7+s2], $0x80, $0x38;
	[tilespmem:$0x8100] =	vst v63  }
0x4e: {  	s8 =	sadd.s32 s4, s8;
	s7 =	simm.s32 $0x4500;
	s18 =	spop (v2sf)  }
0x4f: {  	[tilespmem:s7], [sflag:$0x2] =	stream.linear.gather [hbm4b:s8+s2], $0x80, $0x38;
	[tilespmem:$0x8100] =	vst v63  }
0x50: {  	s21 =	sand.u32 $0x1FFFFFF0, s18;
	s8 =	sadd.s32 s3, s9;
	s7 =	sand.u32 $0x1FFFFFF0, s12  }
0x51: {  	[tilespmem:s1], [sflag:$0x1] =	stream.linear.gather [hbm4b:s8+s2], $0x80, $0x38;
	[tilespmem:$0x8100] =	vst v63  }
0x52: {  	s23 =	sadd.s32 s4, s21;
	s7 =	sadd.s32 s4, s7;
	s8 =	sand.u32 $0x1FFFFFF0, s15  }
0x53: {  	[tilespmem:s11], [sflag:$0x2] =	stream.linear.gather [hbm4b:s7+s2], $0x80, $0x38;
	[tilespmem:$0x8100] =	vst v63  }
0x54: {  	s21 =	simm.s32 $0x10;
	s19 =	sadd.s32 s3, s8;
	s22 =	spop (v2sf)  }
0x55: {  	[tilespmem:s14], [sflag:$0x1] =	stream.linear.gather [hbm4b:s19+s2], $0x80, $0x38;
	[tilespmem:$0x8100] =	vst v63  }
0x56: {  	s24 =	sand.u32 $0x1FFFFFF0, s22;
	s25 =	spop (v2sf);
	s22 =	simm.s32 $0x90  }
0x57: {  	(v2sf) =	vpush v1, $0xD;
	[tilespmem:s0], [sflag:$0x2] =	stream.linear.gather [hbm4b:s23+s2], $0x80, $0x38;
	[tilespmem:$0x8100] =	vst v63  }
0x58: {  	(v2sf) =	vpush v63, $0xD;
	s28 =	sadd.s32 s3, s24;
	s29 =	sand.u32 $0x1FFFFFF0, s25;
	s25 =	simm.s32 $0x700  }
0x59: {  	(v2sf) =	vpush v1, $0xE;
	s24 =	simm.s32 $0x800;
	s23 =	simm.s32 $0x4800;
	s31 =	spop (v2sf)  }
0x5a: {  	(v2sf) =	vpush v63, $0xE;
	[tilespmem:s26], [sflag:$0x1] =	stream.linear.gather [hbm4b:s28+s2], $0x80, $0x38;
	[tilespmem:$0x8100] =	vst v63  }
0x5b: {  	s30 =	sadd.s32 s4, s29;
	(v2sf) =	vpush v1, $0xF;
	s0 =	sand.u32 $0x1FFFFFF0, s31;
	s1 =	spop (v2sf)  }
0x5c: {  	(v2sf) =	vpush v63, $0xF;
	[tilespmem:s5], [sflag:$0x2] =	stream.linear.gather [hbm4b:s30+s2], $0x80, $0x38;
	[tilespmem:$0x8100] =	vst v63  }
.LBB2_2:
0x5d: {  	_ =	sdelay $0x4  }
0x5e: {  	s0 =	sadd.s32 s3, s0;
	s1 =	sand.u32 $0x1FFFFFF0, s1  }
0x5f: {  	[tilespmem:s25], [sflag:$0x1] =	stream.linear.gather [hbm4b:s0+s2], $0x80, $0x38;
	[tilespmem:$0x8100] =	vst v63  }
0x60: {  	s6 =	sadd.s32 s4, s1  }
0x61: {  	[tilespmem:s20], [sflag:$0x2] =	stream.linear.gather [hbm4b:s6+s2], $0x80, $0x38;
	[tilespmem:$0x8100] =	vst v63  }
0x62: {  	s5 =	spop (v2sf)  }
0x63: {  	s7 =	sand.u32 $0x1FFFFFF0, s5;
	s8 =	spop (v2sf)  }
0x64: {  	s9 =	sadd.s32 s3, s7;
	s11 =	sand.u32 $0x1FFFFFF0, s8;
	s12 =	spop (v2sf)  }
0x65: {  	[tilespmem:s13], [sflag:$0x1] =	stream.linear.gather [hbm4b:s9+s2], $0x80, $0x38;
	[tilespmem:$0x8100] =	vst v63  }
0x66: {  	s13 =	sadd.s32 s4, s11;
	s14 =	sand.u32 $0x1FFFFFF0, s12;
	s15 =	spop (v2sf)  }
0x67: {  	[tilespmem:s10], [sflag:$0x2] =	stream.linear.gather [hbm4b:s13+s2], $0x80, $0x38;
	[tilespmem:$0x8100] =	vst v63  }
0x68: {  	s18 =	sadd.s32 s3, s14;
	s19 =	sand.u32 $0x1FFFFFF0, s15;
	s20 =	spop (v2sf)  }
0x69: {  	[tilespmem:s24], [sflag:$0x1] =	stream.linear.gather [hbm4b:s18+s2], $0x80, $0x38;
	[tilespmem:$0x8100] =	vst v63  }
0x6a: {  	s25 =	sadd.s32 s4, s19;
	s26 =	sand.u32 $0x1FFFFFF0, s20;
	s28 =	spop (v2sf)  }
0x6b: {  	[tilespmem:s23], [sflag:$0x2] =	stream.linear.gather [hbm4b:s25+s2], $0x80, $0x38;
	[tilespmem:$0x8100] =	vst v63  }
0x6c: {  	s29 =	sadd.s32 $0x880, s16;
	s1 =	sadd.s32 s3, s26;
	s5 =	sand.u32 $0x1FFFFFF0, s28  }
0x6d: {  	[tilespmem:s29], [sflag:$0x1] =	stream.linear.gather [hbm4b:s1+s2], $0x80, $0x38;
	[tilespmem:$0x8100] =	vst v63  }
0x6e: {  	s30 =	sadd.s32 $0x4880, s16;
	s31 =	sadd.s32 s4, s5  }
0x6f: {  	[tilespmem:s30], [sflag:$0x2] =	stream.linear.gather [hbm4b:s31+s2], $0x80, $0x38;
	[tilespmem:$0x8100] =	vst v63  }
0x70: {  	v0 =	vld [tilespmem:s21+$0x0]  }
0x71: {  	v2 =	vld [tilespmem:s22+$0x0];
	_ =	sdelay $0x3  }
0x72: {  	v1 =	vshll.u32 v0, $0x4  }
0x73: {  	v63 =	vshll.u32 v2, $0x4;
	(v2sf) =	vpush v1, $0x0  }
0x74: {  	s1 =	smov.u32 s17;
	(v2sf) =	vpush v63, $0x0  }
0x75: {  	s16 =	sshra.s32 s1, $0x2;
	(v2sf) =	vpush v1, $0x1  }
0x76: {  	p0 =	sne.s32 s17, $0xE000;
	s17 =	sadd.s32 $0x2000, s17;
	s28 =	sadd.s32 $0x4100, s16  }
0x77: {  	s14 =	sadd.s32 $0x380, s16;
	s0 =	sadd.s32 $0x580, s16;
	s30 =	sadd.s32 $0x100, s16;
	(v2sf) =	vpush v63, $0x1  }
0x78: {  	s11 =	sadd.s32 $0x300, s16;
	s5 =	sadd.s32 $0x4600, s16;
	s15 =	sadd.s32 $0x280, s16  }
0x79: {  	s10 =	sadd.s32 $0x4280, s16;
	s20 =	sadd.s32 $0x4700, s16;
	s26 =	sadd.s32 $0x200, s16;
	(v2sf) =	vpush v1, $0x2  }
0x7a: {  	s12 =	sadd.s32 $0x4300, s16;
	s6 =	sadd.s32 $0x780, s16;
	s29 =	sadd.s32 $0x4180, s16  }
0x7b: {  	s18 =	sadd.s32 $0x4200, s16;
	s9 =	sadd.s32 $0x4380, s16;
	[dreg:$0x5] =	wrdreg s0;
	(v2sf) =	vpush v63, $0x2  }
0x7c: {  	s8 =	sadd.s32 $0x400, s16;
	s7 =	sadd.s32 $0x4680, s16;
	[dreg:$0x3] =	wrdreg s5;
	(v2sf) =	vpush v1, $0x3  }
0x7d: {  	s13 =	sadd.s32 $0x4580, s16;
	s19 =	sadd.s32 $0x600, s16;
	[dreg:$0x9] =	wrdreg s6  }
0x7e: {  	s23 =	sadd.s32 $0x4500, s16;
	s25 =	sadd.s32 $0x700, s16;
	[dreg:$0x4] =	wrdreg s7;
	(v2sf) =	vpush v63, $0x3  }
0x7f: {  	s31 =	sadd.s32 $0x180, s16;
	s24 =	sadd.s32 $0x500, s16;
	[dreg:$0x7] =	wrdreg s13  }
0x80: {  	s1 =	sadd.s32 $0x680, s16;
	s5 =	sadd.s32 $0x4780, s16;
	[dreg:$0x6] =	wrdreg s19  }
0x81: {  	s7 =	sadd.s32 $0x4400, s16;
	s6 =	sadd.s32 $0x480, s16;
	[dreg:$0xa] =	wrdreg s23  }
0x82: {  	s13 =	sadd.s32 $0x4480, s16;
	[dreg:$0xb] =	wrdreg s24;
	(v2sf) =	vpush v1, $0x4;
	s0 =	spop (v2sf)  }
0x83: {  	[dreg:$0x8] =	wrdreg s1;
	s19 =	sand.u32 $0x1FFFFFF0, s0;
	s1 =	spop (v2sf)  }
0x84: {  	(v2sf) =	vpush v63, $0x4;
	s19 =	sadd.s32 s3, s19;
	s0 =	sand.u32 $0x1FFFFFF0, s1;
	s1 =	spop (v2sf)  }
0x85: {  	[tilespmem:s30], [sflag:$0x1] =	stream.linear.gather [hbm4b:s19+s2], $0x80, $0x38;
	[tilespmem:$0x8100] =	vst v63  }
0x86: {  	(v2sf) =	vpush v1, $0x5;
	s0 =	sadd.s32 s4, s0;
	s1 =	sand.u32 $0x1FFFFFF0, s1;
	s30 =	spop (v2sf)  }
0x87: {  	(v2sf) =	vpush v63, $0x5;
	[tilespmem:s28], [sflag:$0x2] =	stream.linear.gather [hbm4b:s0+s2], $0x80, $0x38;
	[tilespmem:$0x8100] =	vst v63  }
0x88: {  	s1 =	sadd.s32 s3, s1;
	s28 =	sand.u32 $0x1FFFFFF0, s30;
	s30 =	spop (v2sf)  }
0x89: {  	(v2sf) =	vpush v1, $0x6;
	[tilespmem:s31], [sflag:$0x1] =	stream.linear.gather [hbm4b:s1+s2], $0x80, $0x38;
	[tilespmem:$0x8100] =	vst v63  }
0x8a: {  	s21 =	sadd.s32 $0x10, s21;
	s1 =	sadd.s32 s4, s28;
	s28 =	spop (v2sf)  }
0x8b: {  	s22 =	sadd.s32 $0x10, s22;
	s19 =	sand.u32 $0x1FFFFFF0, s30;
	(v2sf) =	vpush v63, $0x6;
	s31 =	spop (v2sf)  }
0x8c: {  	[tilespmem:s29], [sflag:$0x2] =	stream.linear.gather [hbm4b:s1+s2], $0x80, $0x38;
	[tilespmem:$0x8100] =	vst v63  }
0x8d: {  	s30 =	sand.u32 $0x1FFFFFF0, s28;
	(v2sf) =	vpush v1, $0x7;
	s29 =	sadd.s32 s3, s19;
	s28 =	spop (v2sf)  }
0x8e: {  	(v2sf) =	vpush v63, $0x7;
	[tilespmem:s26], [sflag:$0x1] =	stream.linear.gather [hbm4b:s29+s2], $0x80, $0x38;
	[tilespmem:$0x8100] =	vst v63  }
0x8f: {  	s24 =	sadd.s32 $0x800, s16;
	s1 =	sadd.s32 s4, s30;
	s26 =	sand.u32 $0x1FFFFFF0, s31  }
0x90: {  	[tilespmem:s18], [sflag:$0x2] =	stream.linear.gather [hbm4b:s1+s2], $0x80, $0x38;
	[tilespmem:$0x8100] =	vst v63  }
0x91: {  	s30 =	sand.u32 $0x1FFFFFF0, s28;
	s31 =	spop (v2sf);
	s29 =	sadd.s32 s3, s26  }
0x92: {  	(v2sf) =	vpush v1, $0x8;
	[tilespmem:s15], [sflag:$0x1] =	stream.linear.gather [hbm4b:s29+s2], $0x80, $0x38;
	[tilespmem:$0x8100] =	vst v63  }
0x93: {  	s19 =	sadd.s32 s4, s30;
	s26 =	sand.u32 $0x1FFFFFF0, s31;
	s28 =	spop (v2sf)  }
0x94: {  	[tilespmem:s10], [sflag:$0x2] =	stream.linear.gather [hbm4b:s19+s2], $0x80, $0x38;
	[tilespmem:$0x8100] =	vst v63  }
0x95: {  	s23 =	sadd.s32 $0x4800, s16;
	s29 =	sadd.s32 s3, s26;
	s31 =	spop (v2sf)  }
0x96: {  	(v2sf) =	vpush v63, $0x8;
	s30 =	sand.u32 $0x1FFFFFF0, s28;
	s10 =	smov.u32 s5;
	s18 =	spop (v2sf)  }
0x97: {  	(v2sf) =	vpush v1, $0x9;
	[tilespmem:s11], [sflag:$0x1] =	stream.linear.gather [hbm4b:s29+s2], $0x80, $0x38;
	[tilespmem:$0x8100] =	vst v63  }
0x98: {  	s15 =	sand.u32 $0x1FFFFFF0, s31;
	s11 =	sadd.s32 s4, s30;
	s28 =	spop (v2sf)  }
0x99: {  	(v2sf) =	vpush v63, $0x9;
	[tilespmem:s12], [sflag:$0x2] =	stream.linear.gather [hbm4b:s11+s2], $0x80, $0x38;
	[tilespmem:$0x8100] =	vst v63  }
0x9a: {  	s19 =	sadd.s32 s3, s15;
	s26 =	sand.u32 $0x1FFFFFF0, s18;
	s31 =	spop (v2sf)  }
0x9b: {  	[tilespmem:s14], [sflag:$0x1] =	stream.linear.gather [hbm4b:s19+s2], $0x80, $0x38;
	[tilespmem:$0x8100] =	vst v63  }
0x9c: {  	s29 =	sadd.s32 s4, s26;
	s11 =	sand.u32 $0x1FFFFFF0, s31;
	s12 =	spop (v2sf)  }
0x9d: {  	(v2sf) =	vpush v1, $0xA;
	s30 =	sand.u32 $0x1FFFFFF0, s28;
	s14 =	sadd.s32 s4, s11;
	s18 =	spop (v2sf)  }
0x9e: {  	[tilespmem:s9], [sflag:$0x2] =	stream.linear.gather [hbm4b:s29+s2], $0x80, $0x38;
	[tilespmem:$0x8100] =	vst v63  }
0x9f: {  	(v2sf) =	vpush v63, $0xA;
	s15 =	sand.u32 $0x1FFFFFF0, s12;
	s9 =	sadd.s32 s3, s30;
	s26 =	sand.u32 $0x1FFFFFF0, s18  }
0xa0: {  	[tilespmem:s8], [sflag:$0x1] =	stream.linear.gather [hbm4b:s9+s2], $0x80, $0x38;
	[tilespmem:$0x8100] =	vst v63  }
0xa1: {  	(v2sf) =	vpush v1, $0xB;
	s28 =	spop (v2sf);
	s29 =	sadd.s32 s4, s26;
	s26 =	rddreg [dreg:$0x5]  }
0xa2: {  	[tilespmem:s7], [sflag:$0x2] =	stream.linear.gather [hbm4b:s14+s2], $0x80, $0x38;
	[tilespmem:$0x8100] =	vst v63  }
0xa3: {  	(v2sf) =	vpush v63, $0xB;
	s19 =	sadd.s32 s3, s15;
	s30 =	sand.u32 $0x1FFFFFF0, s28;
	s8 =	rddreg [dreg:$0xb]  }
0xa4: {  	[tilespmem:s6], [sflag:$0x1] =	stream.linear.gather [hbm4b:s19+s2], $0x80, $0x38;
	[tilespmem:$0x8100] =	vst v63  }
0xa5: {  	s1 =	sadd.s32 s3, s30;
	s14 =	rddreg [dreg:$0xa];
	s31 =	spop (v2sf)  }
0xa6: {  	(v2sf) =	vpush v1, $0xC;
	s5 =	sand.u32 $0x1FFFFFF0, s31;
	s7 =	spop (v2sf);
	s31 =	rddreg [dreg:$0x7]  }
0xa7: {  	[tilespmem:s13], [sflag:$0x2] =	stream.linear.gather [hbm4b:s29+s2], $0x80, $0x38;
	[tilespmem:$0x8100] =	vst v63  }
0xa8: {  	(v2sf) =	vpush v63, $0xC;
	s13 =	rddreg [dreg:$0x9];
	s11 =	sand.u32 $0x1FFFFFF0, s7;
	s12 =	spop (v2sf)  }
0xa9: {  	[tilespmem:s8], [sflag:$0x1] =	stream.linear.gather [hbm4b:s1+s2], $0x80, $0x38;
	[tilespmem:$0x8100] =	vst v63  }
0xaa: {  	s9 =	sadd.s32 s4, s5;
	s15 =	sadd.s32 s3, s11;
	s18 =	sand.u32 $0x1FFFFFF0, s12  }
0xab: {  	[tilespmem:s14], [sflag:$0x2] =	stream.linear.gather [hbm4b:s9+s2], $0x80, $0x38;
	[tilespmem:$0x8100] =	vst v63  }
0xac: {  	s11 =	rddreg [dreg:$0x6];
	s19 =	spop (v2sf);
	s28 =	sadd.s32 s4, s18  }
0xad: {  	[tilespmem:s26], [sflag:$0x1] =	stream.linear.gather [hbm4b:s15+s2], $0x80, $0x38;
	[tilespmem:$0x8100] =	vst v63  }
0xae: {  	s18 =	rddreg [dreg:$0x3];
	s29 =	sand.u32 $0x1FFFFFF0, s19;
	s30 =	spop (v2sf)  }
0xaf: {  	[tilespmem:s31], [sflag:$0x2] =	stream.linear.gather [hbm4b:s28+s2], $0x80, $0x38;
	[tilespmem:$0x8100] =	vst v63  }
0xb0: {  	s7 =	sadd.s32 s3, s29;
	s8 =	sand.u32 $0x1FFFFFF0, s30;
	s9 =	spop (v2sf)  }
0xb1: {  	[tilespmem:s11], [sflag:$0x1] =	stream.linear.gather [hbm4b:s7+s2], $0x80, $0x38;
	[tilespmem:$0x8100] =	vst v63  }
0xb2: {  	s29 =	rddreg [dreg:$0x8];
	s12 =	sadd.s32 s4, s8;
	s15 =	spop (v2sf)  }
0xb3: {  	(v2sf) =	vpush v1, $0xD;
	[tilespmem:s18], [sflag:$0x2] =	stream.linear.gather [hbm4b:s12+s2], $0x80, $0x38;
	[tilespmem:$0x8100] =	vst v63  }
.Ltmp0:
0xb4: {  	(v2sf) =	vpush v63, $0xD;
	s14 =	sand.u32 $0x1FFFFFF0, s9;
	s26 =	sand.u32 $0x1FFFFFF0, s15;
	(pc) =	sbr.rel @p0 .LBB2_2-.Ltmp0, $4  }
0xb5: {  	(v2sf) =	vpush v1, $0xE;
	s19 =	sadd.s32 s3, s14;
	s28 =	spop (v2sf);
	s30 =	sadd.s32 s4, s26  }
0xb6: {  	(v2sf) =	vpush v63, $0xE;
	[tilespmem:s29], [sflag:$0x1] =	stream.linear.gather [hbm4b:s19+s2], $0x80, $0x38;
	[tilespmem:$0x8100] =	vst v63  }
0xb7: {  	(v2sf) =	vpush v1, $0xF;
	s31 =	rddreg [dreg:$0x4];
	s0 =	sand.u32 $0x1FFFFFF0, s28;
	s1 =	spop (v2sf)  }
0xb8: {  	(v2sf) =	vpush v63, $0xF;
	[tilespmem:s31], [sflag:$0x2] =	stream.linear.gather [hbm4b:s30+s2], $0x80, $0x38;
	[tilespmem:$0x8100] =	vst v63  }
0xb9: {  	_ =	sdelay $0x4  }
0xba: {  	s0 =	sadd.s32 s3, s0;
	s1 =	sand.u32 $0x1FFFFFF0, s1  }
0xbb: {  	[tilespmem:s25], [sflag:$0x1] =	stream.linear.gather [hbm4b:s0+s2], $0x80, $0x38;
	[tilespmem:$0x8100] =	vst v63  }
0xbc: {  	s29 =	sadd.s32 s4, s1  }
0xbd: {  	[tilespmem:s20], [sflag:$0x2] =	stream.linear.gather [hbm4b:s29+s2], $0x80, $0x38;
	[tilespmem:$0x8100] =	vst v63  }
0xbe: {  	s5 =	spop (v2sf)  }
0xbf: {  	s30 =	sand.u32 $0x1FFFFFF0, s5;
	s31 =	spop (v2sf)  }
0xc0: {  	s6 =	sadd.s32 s3, s30;
	s7 =	sand.u32 $0x1FFFFFF0, s31;
	s8 =	spop (v2sf)  }
0xc1: {  	[tilespmem:s13], [sflag:$0x1] =	stream.linear.gather [hbm4b:s6+s2], $0x80, $0x38;
	[tilespmem:$0x8100] =	vst v63  }
0xc2: {  	s9 =	sadd.s32 s4, s7;
	s11 =	sand.u32 $0x1FFFFFF0, s8;
	s12 =	spop (v2sf)  }
0xc3: {  	[tilespmem:s10], [sflag:$0x2] =	stream.linear.gather [hbm4b:s9+s2], $0x80, $0x38;
	[tilespmem:$0x8100] =	vst v63  }
0xc4: {  	s13 =	sadd.s32 s3, s11;
	s14 =	sand.u32 $0x1FFFFFF0, s12;
	s15 =	spop (v2sf)  }
0xc5: {  	[tilespmem:s24], [sflag:$0x1] =	stream.linear.gather [hbm4b:s13+s2], $0x80, $0x38;
	[tilespmem:$0x8100] =	vst v63  }
0xc6: {  	s17 =	sadd.s32 s4, s14;
	s18 =	sand.u32 $0x1FFFFFF0, s15;
	s19 =	spop (v2sf)  }
0xc7: {  	[tilespmem:s23], [sflag:$0x2] =	stream.linear.gather [hbm4b:s17+s2], $0x80, $0x38;
	[tilespmem:$0x8100] =	vst v63  }
0xc8: {  	s20 =	sadd.s32 $0x880, s16;
	s1 =	sadd.s32 s3, s18;
	s5 =	sand.u32 $0x1FFFFFF0, s19  }
0xc9: {  	[tilespmem:s20], [sflag:$0x1] =	stream.linear.gather [hbm4b:s1+s2], $0x80, $0x38;
	[tilespmem:$0x8100] =	vst v63  }
0xca: {  	s21 =	sadd.s32 $0x4880, s16;
	s22 =	sadd.s32 s4, s5;
	s23 =	simm.s32 $0x1  }
0xcb: {  	[tilespmem:s21], [sflag:$0x2] =	stream.linear.gather [hbm4b:s22+s2], $0x80, $0x38;
	[tilespmem:$0x8100] =	vst v63  }
0xcc: {  	_ =	swait.ge [sflag:s23], $0x4000  }
0xcd: {  	[sflag:s23] =	ssyncset.done $0x0  }
0xce: {  	s24 =	simm.s32 $0x2;
	[sflag:s23] =	ssyncadd.s32 $0xFFFFC000  }
0xcf: {  	_ =	swait.ge [sflag:s24], $0x4000  }
0xd0: {  	s26 =	simm.s32 $0x100;
	[sflag:s24] =	ssyncset.done $0x0  }
0xd1: {  	s5 =	simm.s32 $0x3;
	s25 =	rddreg [dreg:$0xe];
	[sflag:s24] =	ssyncadd.s32 $0xFFFFC000  }
0xd2: {  	[hbm4b:s25+s2] =	stream.linear.scatter [tilespmem:s26], [sflag:$0x3], $0x4000, $0x38;
	[tilespmem:$0x8100] =	vst v63  }
0xd3: {  	_ =	swait.ge [sflag:s5], $0x4000  }
0xd4: {  	[sflag:s5] =	ssyncset.done $0x0  }
0xd5: {  	s29 =	simm.s32 $0x4100;
	s28 =	rddreg [dreg:$0xf];
	[sflag:s5] =	ssyncadd.s32 $0xFFFFC000  }
0xd6: {  	[hbm4b:s28+s2] =	stream.linear.scatter [tilespmem:s29], [sflag:$0x3], $0x4000, $0x38;
	[tilespmem:$0x8100] =	vst v63  }
0xd7: {  	_ =	swait.ge [sflag:s5], $0x4000  }
0xd8: {  	s30 =	rddreg [dreg:$0x11]  }
0xd9: {  	s31 =	rddreg [dreg:$0x10];
	s1 =	sadd.s32 $0x1, s30  }
0xda: {  	p0 =	sne.s32 s1, s31  }
.Ltmp1:
0xdb: {  	_ = 	snop;
	(pc) =	sbr.rel @p0 .LBB2_1-.Ltmp1, $3  }
0xdc: {  	_ =	sdelay $0x1  }
0xdd: {  	[sflag:s5] =	ssyncset.done $0x0  }
0xde: {  	[sflag:s5] =	ssyncadd.s32 $0xFFFFC000  }
0xdf: {  	_ =	sfence.sel $0x180000  }
0xe0: {  	[bflag:$0x0] =	sbarrier.arrive $0xFFFF  }
0xe1: {  	_ =	strace $0x90000047  }
0xe2: {  	s0 =	stileid.u32;
	[bflag:$0x2] =	sbarrier.arrive $0xFFFF  }
0xe3: {  	p0 =	sne.s32 s0, $0x0;
	s0 =	rddreg [dreg:$0x2]  }
0xe4: {  	s0 =	sadd.s32 @!p0 $0x100000, s0  }
0xe5: {  	[sflag:s0] =	ssyncadd.tile.s32 @!p0 $0x1;
	_ =	shalt  }
.Lfunc_end2:
_tile_overlayer_lowered:
.L_overlay_start_2:
0xe6: {  	(tag) =	ssettag $0x2  }
0xe7: {  	s0 =	rddreg [dreg:$0x0];
	s2 =	stileid.u32  }
0xe8: {  	s1 =	rddreg [dreg:$0x1];
	p0 =	sne.s32 s2, $0x0  }
0xe9: {  	s3 =	rddreg [dreg:$0x2];
	[bflag:$0x3] =	sbarrier.arrive $0xFFFF;
	s2 =	simm.s32 @!p0 $0x1C03  }
0xea: {  	[timem:s3], [sflag:s2] =	dma.local @!p0 [hbm:s0], s1  }
0xeb: {  	s0 =	simm.s32 @!p0 $0x3  }
0xec: {  	_ =	swait.ge @!p0 [sflag:s0], s1  }
0xed: {  	s1 =	ssub.s32 @!p0 $0x0, s1;
	[sflag:s0] =	ssyncset.done @!p0 $0x0  }
0xee: {  	[sflag:s0] =	ssyncadd.s32 @!p0 s1  }
0xef: {  	[bflag:$0x3] =	sbarrier.arrive $0xFFFF  }
0xf0: {  	_ =	shalt  }

</sc_bundles>
